<compile_context>
chip_gen: v7x
topology: tpu7x:2x2x1
jax: 0.10.2.dev20260603
libtpu: 0.0.44.dev20260713+nightly
codegen_flags: <defaults>
</compile_context>

<pallas_src>
import jax
import jax.numpy as jnp
from jax import lax
from jax.experimental import pallas as pl
from jax.experimental.pallas import tpu as pltpu
from jax.experimental.pallas import tpu_sc as plsc

_N = 10000
_E = 320000
_HID = 128
_G = 64
_NC = 2
_NS = 16
_C = 80

_NPAD = 10240
_RPT = _NPAD // _NS
_EPC = _E // _NC
_EPT = _EPC // _NS
_NCHUNK = _EPT // _C


def _edge_body(t_hbm, gidx_hbm, dst_hbm, zeros_hbm, out_hbm,
               idx_v, dst_v, rows_v, agg_sh, sem):
    c = lax.axis_index("c")
    s = lax.axis_index("s")
    pltpu.sync_copy(zeros_hbm, agg_sh.at[pl.ds(s * _RPT, _RPT)])
    plsc.subcore_barrier()
    base = c * _EPC + s * _EPT

    def chunk(k, carry):
        off = base + k * _C
        pltpu.sync_copy(gidx_hbm.at[pl.ds(off, _C)], idx_v)
        pltpu.sync_copy(dst_hbm.at[pl.ds(off, _C)], dst_v)
        pltpu.async_copy(t_hbm.at[idx_v], rows_v, sem).wait()
        pltpu.sync_copy(rows_v, agg_sh.at[dst_v], add=True)
        return carry

    lax.fori_loop(0, _NCHUNK, chunk, 0)
    plsc.subcore_barrier()
    pltpu.sync_copy(agg_sh.at[pl.ds(s * _RPT, _RPT)],
                    out_hbm.at[c, pl.ds(s * _RPT, _RPT)])


_edge_pass_cache = []


def _edge_pass(*args):
    if not _edge_pass_cache:
        _edge_pass_cache.append(pl.kernel(
            _edge_body,
            out_type=jax.ShapeDtypeStruct((_NC, _NPAD, _HID), jnp.float32),
            mesh=plsc.VectorSubcoreMesh(core_axis_name="c",
                                        subcore_axis_name="s"),
            scratch_types=[
                pltpu.VMEM((_C,), jnp.int32),
                pltpu.VMEM((_C,), jnp.int32),
                pltpu.VMEM((_C, _HID), jnp.float32),
                pltpu.VMEM_SHARED((_NPAD, _HID), jnp.float32),
                pltpu.SemaphoreType.DMA,
            ],
        ))
    return _edge_pass_cache[0](*args)


def _dot3(a, b, scr, dn=None):
    f = jnp.float32
    ah = a.astype(jnp.bfloat16)
    al = (a - ah.astype(f)).astype(jnp.bfloat16)
    bh = b.astype(jnp.bfloat16)
    bl = (b - bh.astype(f)).astype(jnp.bfloat16)
    if dn is None:
        dn = (((a.ndim - 1,), (0,)), ((), ()))
    dot = lambda u, v: lax.dot_general(u, v, dn, preferred_element_type=f)
    scr[...] = dot(al, bh)
    return (dot(ah, bl) + scr[...]) + dot(ah, bh)


def _tables(h, et_ref, t_ref):
    for a in range(4):
        t_ref[pl.ds(a, 1), :, :] = jnp.maximum(h + et_ref[pl.ds(a, 1), :], 0.0)[None]


def _encode_body(x_ref, w_ref, b_ref, et_ref, h_ref, t_ref, scr):
    h = _dot3(x_ref[...], w_ref[...], scr)
    h = h + b_ref[...]
    h_ref[...] = h
    _tables(h, et_ref, t_ref)


_encode = pl.pallas_call(
    _encode_body,
    out_shape=[jax.ShapeDtypeStruct((_N, _HID), jnp.float32),
               jax.ShapeDtypeStruct((4, _N, _HID), jnp.float32)],
    scratch_shapes=[pltpu.VMEM((_N, _HID), jnp.float32)],
)


def _mlp_body(with_tables, h_ref, a_ref, w1_ref, b1_ref, w2_ref,
              b2_ref, g_ref, bb_ref, et_ref, hn_ref, t_ref, scr):
    z = h_ref[...] + a_ref[...]
    z = jnp.maximum(_dot3(z, w1_ref[...], scr) + b1_ref[...], 0.0)
    z = jnp.maximum(_dot3(z, w2_ref[...], scr) + b2_ref[...], 0.0)
    m = jnp.mean(z, axis=0, keepdims=True)
    zc = z - m
    v = jnp.mean(zc * zc, axis=0, keepdims=True)
    hn = zc * lax.rsqrt(v + 1e-5) * g_ref[...] + bb_ref[...]
    hn_ref[...] = hn
    if with_tables:
        _tables(hn, et_ref, t_ref)


def _mlp_mid_body(h_ref, a_ref, w1_ref, b1_ref, w2_ref, b2_ref,
                  g_ref, bb_ref, et_ref, hn_ref, t_ref, scr):
    _mlp_body(True, h_ref, a_ref, w1_ref, b1_ref, w2_ref, b2_ref,
              g_ref, bb_ref, et_ref, hn_ref, t_ref, scr)


def _mlp_last_body(h_ref, a_ref, w1_ref, b1_ref, w2_ref, b2_ref,
                   g_ref, bb_ref, et_ref, hn_ref, scr):
    _mlp_body(False, h_ref, a_ref, w1_ref, b1_ref, w2_ref, b2_ref,
              g_ref, bb_ref, et_ref, hn_ref, None, scr)


_mlp_mid = pl.pallas_call(
    _mlp_mid_body,
    out_shape=[jax.ShapeDtypeStruct((_N, _HID), jnp.float32),
               jax.ShapeDtypeStruct((4, _N, _HID), jnp.float32)],
    scratch_shapes=[pltpu.VMEM((_N, _HID), jnp.float32)],
)

_mlp_last = pl.pallas_call(
    _mlp_last_body,
    out_shape=[jax.ShapeDtypeStruct((_N, _HID), jnp.float32)],
    scratch_shapes=[pltpu.VMEM((_N, _HID), jnp.float32)],
)


def _readout_body(h_ref, batch_ref, w1_ref, b1_ref, w2_ref, b2_ref, o_ref,
                  maxp_scr, scr_g, scr_o):
    h = h_ref[...]
    batch = batch_ref[...]
    gids = lax.broadcasted_iota(jnp.int32, (_N, _G), 1)
    onef = (batch == gids).astype(jnp.float32)
    dn = (((0,), (0,)), ((), ()))
    sums = _dot3(onef, h, scr_g, dn)
    ones = jnp.ones((_N, 1), jnp.float32)
    cnt = lax.dot_general(onef, ones, dn, preferred_element_type=jnp.float32)
    meanp = sums / jnp.maximum(cnt, 1.0)

    def mx(g, carry):
        masked = jnp.where(batch == g, h, -3e38)
        maxp_scr[pl.ds(g, 1), :] = jnp.max(masked, axis=0, keepdims=True)
        return carry

    lax.fori_loop(0, _G, mx, 0)
    maxp = jnp.where(cnt > 0.0, maxp_scr[...], 0.0)
    gemb = jnp.concatenate([meanp, maxp], axis=1)
    z = jnp.maximum(_dot3(gemb, w1_ref[...], scr_g) + b1_ref[...], 0.0)
    o_ref[...] = _dot3(z, w2_ref[...], scr_o) + b2_ref[...]


_readout = pl.pallas_call(
    _readout_body,
    out_shape=jax.ShapeDtypeStruct((_G, 10), jnp.float32),
    scratch_shapes=[pltpu.VMEM((_G, _HID), jnp.float32),
                    pltpu.VMEM((_G, _HID), jnp.float32),
                    pltpu.VMEM((_G, 10), jnp.float32)],
)


def kernel(x, edge_index, edge_attr, batch, x_lin_W, x_lin_b, edge_table,
           W1, b1, W2, b2, bn_g, bn_b, lin1_W, lin1_b, lin2_W, lin2_b):
    src = edge_index[0].astype(jnp.int32)
    dst = edge_index[1].astype(jnp.int32)
    gidx = edge_attr.astype(jnp.int32) * _N + src
    zeros = jnp.zeros((_RPT, _HID), jnp.float32)
    r = lambda a: a.reshape(1, -1)

    h, t = _encode(x, x_lin_W, r(x_lin_b), edge_table)
    for l in range(3):
        aggs = _edge_pass(t.reshape(4 * _N, _HID), gidx, dst, zeros)
        aggs = aggs[0, :_N] + aggs[1, :_N]
        if l < 2:
            h, t = _mlp_mid(h, aggs, W1[l], r(b1[l]), W2[l], r(b2[l]),
                            r(bn_g[l]), r(bn_b[l]), edge_table)
        else:
            (h,) = _mlp_last(h, aggs, W1[l], r(b1[l]), W2[l], r(b2[l]),
                             r(bn_g[l]), r(bn_b[l]), edge_table)
    return _readout(h, batch.astype(jnp.int32).reshape(-1, 1), lin1_W,
                    r(lin1_b), lin2_W, r(lin2_b))

# --- scband reference (transcript-rebuilt; emitter-appended) ---
"""Pipeline reference for scband-net-16690242912867 (READ-ONLY COPY).

The authoritative reference and input builder live on the scoring server;
editing this copy changes nothing except your own understanding.
"""

import jax, jax.numpy as jnp
import numpy as np

N = 10000
E = 320000
D = 128
HID = 128
OUT = 10
G = 64
L = 3  # conv1 + max_layer(=2) GINEConv layers


def setup_inputs(seed: int = 0) -> dict:
    key = jax.random.key(seed)
    ks = jax.random.split(key, 16)
    scale = 0.05
    x = jax.random.normal(ks[0], (N, D), dtype=jnp.float32)
    edge_index = jax.random.randint(ks[1], (2, E), 0, N, dtype=jnp.int64)
    edge_attr = jax.random.randint(ks[2], (E,), 0, 4, dtype=jnp.int64)
    batch = jnp.sort(jax.random.randint(ks[3], (N,), 0, G, dtype=jnp.int64))
    x_lin_W = jax.random.normal(ks[4], (D, HID), dtype=jnp.float32) * scale
    x_lin_b = jnp.zeros((HID,), dtype=jnp.float32)
    edge_table = jax.random.normal(ks[5], (4, HID), dtype=jnp.float32) * scale
    W1 = jax.random.normal(ks[6], (L, HID, HID), dtype=jnp.float32) * scale
    b1 = jnp.zeros((L, HID), dtype=jnp.float32)
    W2 = jax.random.normal(ks[7], (L, HID, HID), dtype=jnp.float32) * scale
    b2 = jnp.zeros((L, HID), dtype=jnp.float32)
    bn_g = jnp.ones((L, HID), dtype=jnp.float32)
    bn_b = jnp.zeros((L, HID), dtype=jnp.float32)
    lin1_W = jax.random.normal(ks[8], (2 * HID, HID), dtype=jnp.float32) * scale
    lin1_b = jnp.zeros((HID,), dtype=jnp.float32)
    lin2_W = jax.random.normal(ks[9], (HID, OUT), dtype=jnp.float32) * scale
    lin2_b = jnp.zeros((OUT,), dtype=jnp.float32)
    return {
        "x": x, "edge_index": edge_index, "edge_attr": edge_attr, "batch": batch,
        "x_lin_W": x_lin_W, "x_lin_b": x_lin_b, "edge_table": edge_table,
        "W1": W1, "b1": b1, "W2": W2, "b2": b2, "bn_g": bn_g, "bn_b": bn_b,
        "lin1_W": lin1_W, "lin1_b": lin1_b, "lin2_W": lin2_W, "lin2_b": lin2_b,
    }


def _bn(h, g, b):
    m = h.mean(axis=0)
    v = h.var(axis=0)
    return (h - m) / jnp.sqrt(v + 1e-5) * g + b


def reference(x, edge_index, edge_attr, batch, x_lin_W, x_lin_b, edge_table,
              W1, b1, W2, b2, bn_g, bn_b, lin1_W, lin1_b, lin2_W, lin2_b):
    src = edge_index[0]
    dst = edge_index[1]
    # continuous node features -> Linear encoder (x_lin path of _encode_node_x)
    h = x @ x_lin_W + x_lin_b
    # integer edge attributes -> Embedding(4, hid)
    e = edge_table[edge_attr]
    # conv1 + convs: GINEConv with train_eps=False (eps=0):
    # out = nn((1+eps)*x + sum_{j in N(i)} relu(x_j + e_ij)), nn = Lin-ReLU-Lin-ReLU-BN
    for l in range(L):
        msg = jax.nn.relu(h[src] + e)
        agg = jnp.zeros_like(h).at[dst].add(msg)
        z = h + agg
        z = jax.nn.relu(z @ W1[l] + b1[l])
        z = jax.nn.relu(z @ W2[l] + b2[l])
        h = _bn(z, bn_g[l], bn_b[l])
    # graph readout: concat(mean_pool, max_pool) -> lin1 -> ReLU -> lin2
    ones = jnp.ones((h.shape[0], 1), dtype=h.dtype)
    cnt = jax.ops.segment_sum(ones, batch, num_segments=G)
    sums = jax.ops.segment_sum(h, batch, num_segments=G)
    meanp = sums / jnp.clip(cnt, 1.0)
    maxp = jax.ops.segment_max(h, batch, num_segments=G)
    maxp = jnp.where(cnt > 0, maxp, 0.0)
    gemb = jnp.concatenate([meanp, maxp], axis=1)
    out = jax.nn.relu(gemb @ lin1_W + lin1_b) @ lin2_W + lin2_b
    return out

if __name__ == "__main__":
    import jax
    _d = setup_inputs()
    print(jax.jit(kernel)(*tuple(_d.values())))

</pallas_src>

<mosaic_0001>
#map = affine_map<(d0, d1) -> (0, 0)>
#map1 = affine_map<(d0, d1) -> (0)>
#map2 = affine_map<(d0, d1) -> (0, 0, 0)>
module attributes {stable_mosaic.version = 14 : i64} {
  func.func @_edge_body(%arg0: i32, %arg1: i32, %arg2: memref<40000x128xf32, #tpu.memory_space<hbm>>, %arg3: memref<320000xi32, #tpu.memory_space<hbm>>, %arg4: memref<320000xi32, #tpu.memory_space<hbm>>, %arg5: memref<640x128xf32, #tpu.memory_space<hbm>>, %arg6: memref<2x10240x128xf32, #tpu.memory_space<hbm>>, %arg7: memref<80xi32, #tpu.memory_space<vmem>>, %arg8: memref<80xi32, #tpu.memory_space<vmem>>, %arg9: memref<80x128xf32, #tpu.memory_space<vmem>>, %arg10: memref<10240x128xf32, #tpu.memory_space<vmem_shared>>, %arg11: memref<!tpu.dma_semaphore, #tpu.memory_space<semaphore_mem>>) attributes {dimension_semantics = [#tpu.dimension_semantics<core_parallel>, #tpu.dimension_semantics<subcore_parallel>], iteration_bounds = array<i64: 2, 16>, scalar_prefetch = 0 : i64, scratch_operands = 5 : i64, tpu.core_type = #tpu.core_type<sc_vector_subcore>, window_params = [{transform_indices = #map}, {transform_indices = #map1}, {transform_indices = #map1}, {transform_indices = #map}, {transform_indices = #map2}]} {
    %mul3A = arith.constant 640 : i32
    %mul3A_0 = arith.muli %arg1, %mul3A : i32
    "tpu.region"() ({
      %run_scoped3A = tpu.sem_alloc : memref<!tpu.dma_semaphore, #tpu.memory_space<semaphore_mem>>
      %dma_start3A = arith.constant 0 : i32
      %dma_start3A_15 = tpu.memref_slice %arg10[%mul3A_0, %dma_start3A] : memref<10240x128xf32, #tpu.memory_space<vmem_shared>> -> memref<640x128xf32, #tpu.memory_space<vmem_shared>>
      tpu.enqueue_dma source(%arg5 : memref<640x128xf32, #tpu.memory_space<hbm>>) target(%dma_start3A_15 : memref<640x128xf32, #tpu.memory_space<vmem_shared>>) target_semaphore(%run_scoped3A : memref<!tpu.dma_semaphore, #tpu.memory_space<semaphore_mem>>)
      %dma_wait3A = arith.constant 0 : i32
      %dma_wait3A_16 = tpu.memref_slice %arg10[%mul3A_0, %dma_wait3A] : memref<10240x128xf32, #tpu.memory_space<vmem_shared>> -> memref<640x128xf32, #tpu.memory_space<vmem_shared>>
      tpu.wait_dma2 semaphore(%run_scoped3A : memref<!tpu.dma_semaphore, #tpu.memory_space<semaphore_mem>>) src(%arg5 : memref<640x128xf32, #tpu.memory_space<hbm>>) dst(%dma_wait3A_16 : memref<640x128xf32, #tpu.memory_space<vmem_shared>>)
      tpu.yield
    }) : () -> ()
    %barrier3A = arith.constant 0 : index
    tpu.barrier barrier_id(%barrier3A)
    %mul3A_1 = arith.constant 160000 : i32
    %mul3A_2 = arith.muli %arg0, %mul3A_1 : i32
    %mul3A_3 = arith.constant 10000 : i32
    %mul3A_4 = arith.muli %arg1, %mul3A_3 : i32
    %add3A = arith.addi %mul3A_2, %mul3A_4 : i32
    %scan3A = arith.constant 0 : i32
    %scan3A_5 = arith.constant 0 : i32
    %scan3A_6 = arith.constant 125 : i32
    %scan3A_7 = arith.addi %scan3A_5, %scan3A_6 : i32
    %scan3A_8 = arith.constant 1 : i32
    scf.for %scan3A_15 = %scan3A_5 to %scan3A_7 step %scan3A_8  : i32 {
      %mul3A_16 = arith.constant 80 : i32
      %mul3A_17 = arith.muli %scan3A_15, %mul3A_16 : i32
      %add3A_18 = arith.addi %add3A, %mul3A_17 : i32
      "tpu.region"() ({
        %run_scoped3A = tpu.sem_alloc : memref<!tpu.dma_semaphore, #tpu.memory_space<semaphore_mem>>
        %dma_start3A_23 = tpu.memref_slice %arg3[%add3A_18] : memref<320000xi32, #tpu.memory_space<hbm>> -> memref<80xi32, #tpu.memory_space<hbm>>
        %dma_start3A_24 = tpu.memref_slice %arg3[%add3A_18] : memref<320000xi32, #tpu.memory_space<hbm>> -> memref<80xi32, #tpu.memory_space<hbm>>
        tpu.enqueue_dma source(%dma_start3A_24 : memref<80xi32, #tpu.memory_space<hbm>>) target(%arg7 : memref<80xi32, #tpu.memory_space<vmem>>) target_semaphore(%run_scoped3A : memref<!tpu.dma_semaphore, #tpu.memory_space<semaphore_mem>>)
        %dma_wait3A_25 = tpu.memref_slice %arg3[%add3A_18] : memref<320000xi32, #tpu.memory_space<hbm>> -> memref<80xi32, #tpu.memory_space<hbm>>
        %dma_wait3A_26 = tpu.memref_slice %arg3[%add3A_18] : memref<320000xi32, #tpu.memory_space<hbm>> -> memref<80xi32, #tpu.memory_space<hbm>>
        tpu.wait_dma2 semaphore(%run_scoped3A : memref<!tpu.dma_semaphore, #tpu.memory_space<semaphore_mem>>) src(%dma_wait3A_26 : memref<80xi32, #tpu.memory_space<hbm>>) dst(%arg7 : memref<80xi32, #tpu.memory_space<vmem>>)
        tpu.yield
      }) : () -> ()
      "tpu.region"() ({
        %run_scoped3A = tpu.sem_alloc : memref<!tpu.dma_semaphore, #tpu.memory_space<semaphore_mem>>
        %dma_start3A_23 = tpu.memref_slice %arg4[%add3A_18] : memref<320000xi32, #tpu.memory_space<hbm>> -> memref<80xi32, #tpu.memory_space<hbm>>
        %dma_start3A_24 = tpu.memref_slice %arg4[%add3A_18] : memref<320000xi32, #tpu.memory_space<hbm>> -> memref<80xi32, #tpu.memory_space<hbm>>
        tpu.enqueue_dma source(%dma_start3A_24 : memref<80xi32, #tpu.memory_space<hbm>>) target(%arg8 : memref<80xi32, #tpu.memory_space<vmem>>) target_semaphore(%run_scoped3A : memref<!tpu.dma_semaphore, #tpu.memory_space<semaphore_mem>>)
        %dma_wait3A_25 = tpu.memref_slice %arg4[%add3A_18] : memref<320000xi32, #tpu.memory_space<hbm>> -> memref<80xi32, #tpu.memory_space<hbm>>
        %dma_wait3A_26 = tpu.memref_slice %arg4[%add3A_18] : memref<320000xi32, #tpu.memory_space<hbm>> -> memref<80xi32, #tpu.memory_space<hbm>>
        tpu.wait_dma2 semaphore(%run_scoped3A : memref<!tpu.dma_semaphore, #tpu.memory_space<semaphore_mem>>) src(%dma_wait3A_26 : memref<80xi32, #tpu.memory_space<hbm>>) dst(%arg8 : memref<80xi32, #tpu.memory_space<vmem>>)
        tpu.yield
      }) : () -> ()
      %dma_start3A = arith.constant 0 : i32
      %dma_start3A_19 = arith.constant 0 : i32
      %dma_start3A_20 = tpu.memref_slice %arg2[%dma_start3A, %dma_start3A_19] : memref<40000x128xf32, #tpu.memory_space<hbm>> -> memref<40000x128xf32, #tpu.memory_space<hbm>>
      tpu.enqueue_indirect_dma source(%dma_start3A_20 : memref<40000x128xf32, #tpu.memory_space<hbm>>) target(%arg9 : memref<80x128xf32, #tpu.memory_space<vmem>>) offsets(%arg7 : memref<80xi32, #tpu.memory_space<vmem>>) semaphore(%arg11 : memref<!tpu.dma_semaphore, #tpu.memory_space<semaphore_mem>>)
      %dma_wait3A = arith.constant 0 : i32
      %dma_wait3A_21 = arith.constant 0 : i32
      %dma_wait3A_22 = tpu.memref_slice %arg2[%dma_wait3A, %dma_wait3A_21] : memref<40000x128xf32, #tpu.memory_space<hbm>> -> memref<40000x128xf32, #tpu.memory_space<hbm>>
      tpu.wait_indirect_dma semaphore(%arg11 : memref<!tpu.dma_semaphore, #tpu.memory_space<semaphore_mem>>) src(%dma_wait3A_22 : memref<40000x128xf32, #tpu.memory_space<hbm>>) dst(%arg9 : memref<80x128xf32, #tpu.memory_space<vmem>>)
      "tpu.region"() ({
        %run_scoped3A = tpu.sem_alloc : memref<!tpu.dma_semaphore, #tpu.memory_space<semaphore_mem>>
        %dma_start3A_23 = arith.constant 0 : i32
        %dma_start3A_24 = arith.constant 0 : i32
        %dma_start3A_25 = tpu.memref_slice %arg10[%dma_start3A_23, %dma_start3A_24] : memref<10240x128xf32, #tpu.memory_space<vmem_shared>> -> memref<10240x128xf32, #tpu.memory_space<vmem_shared>>
        tpu.enqueue_indirect_dma source(%arg9 : memref<80x128xf32, #tpu.memory_space<vmem>>) target(%dma_start3A_25 : memref<10240x128xf32, #tpu.memory_space<vmem_shared>>) offsets(%arg8 : memref<80xi32, #tpu.memory_space<vmem>>) semaphore(%run_scoped3A : memref<!tpu.dma_semaphore, #tpu.memory_space<semaphore_mem>>) {add = true}
        %dma_wait3A_26 = arith.constant 0 : i32
        %dma_wait3A_27 = arith.constant 0 : i32
        %dma_wait3A_28 = tpu.memref_slice %arg10[%dma_wait3A_26, %dma_wait3A_27] : memref<10240x128xf32, #tpu.memory_space<vmem_shared>> -> memref<10240x128xf32, #tpu.memory_space<vmem_shared>>
        tpu.wait_indirect_dma semaphore(%run_scoped3A : memref<!tpu.dma_semaphore, #tpu.memory_space<semaphore_mem>>) src(%arg9 : memref<80x128xf32, #tpu.memory_space<vmem>>) dst(%dma_wait3A_28 : memref<10240x128xf32, #tpu.memory_space<vmem_shared>>)
        tpu.yield
      }) : () -> ()
    }
    %scan3A_9 = arith.constant 125 : i32
    %barrier3A_10 = arith.constant 0 : index
    tpu.barrier barrier_id(%barrier3A_10)
    %mul3A_11 = arith.constant 640 : i32
    %mul3A_12 = arith.muli %arg1, %mul3A_11 : i32
    %mul3A_13 = arith.constant 640 : i32
    %mul3A_14 = arith.muli %arg1, %mul3A_13 : i32
    "tpu.region"() ({
      %run_scoped3A = tpu.sem_alloc : memref<!tpu.dma_semaphore, #tpu.memory_space<semaphore_mem>>
      %dma_start3A = arith.constant 0 : i32
      %dma_start3A_15 = tpu.memref_slice %arg6[%arg0, %mul3A_14, %dma_start3A] : memref<2x10240x128xf32, #tpu.memory_space<hbm>> -> memref<1x640x128xf32, #tpu.memory_space<hbm>>
      %dma_start3A_16 = tpu.memref_squeeze %dma_start3A_15 : memref<1x640x128xf32, #tpu.memory_space<hbm>> -> memref<640x128xf32, #tpu.memory_space<hbm>>
      %dma_start3A_17 = arith.constant 0 : i32
      %dma_start3A_18 = tpu.memref_slice %arg10[%mul3A_12, %dma_start3A_17] : memref<10240x128xf32, #tpu.memory_space<vmem_shared>> -> memref<640x128xf32, #tpu.memory_space<vmem_shared>>
      tpu.enqueue_dma source(%dma_start3A_18 : memref<640x128xf32, #tpu.memory_space<vmem_shared>>) target(%dma_start3A_16 : memref<640x128xf32, #tpu.memory_space<hbm>>) target_semaphore(%run_scoped3A : memref<!tpu.dma_semaphore, #tpu.memory_space<semaphore_mem>>)
      %dma_wait3A = arith.constant 0 : i32
      %dma_wait3A_19 = tpu.memref_slice %arg6[%arg0, %mul3A_14, %dma_wait3A] : memref<2x10240x128xf32, #tpu.memory_space<hbm>> -> memref<1x640x128xf32, #tpu.memory_space<hbm>>
      %dma_wait3A_20 = tpu.memref_squeeze %dma_wait3A_19 : memref<1x640x128xf32, #tpu.memory_space<hbm>> -> memref<640x128xf32, #tpu.memory_space<hbm>>
      %dma_wait3A_21 = arith.constant 0 : i32
      %dma_wait3A_22 = tpu.memref_slice %arg10[%mul3A_12, %dma_wait3A_21] : memref<10240x128xf32, #tpu.memory_space<vmem_shared>> -> memref<640x128xf32, #tpu.memory_space<vmem_shared>>
      tpu.wait_dma2 semaphore(%run_scoped3A : memref<!tpu.dma_semaphore, #tpu.memory_space<semaphore_mem>>) src(%dma_wait3A_22 : memref<640x128xf32, #tpu.memory_space<vmem_shared>>) dst(%dma_wait3A_20 : memref<640x128xf32, #tpu.memory_space<hbm>>)
      tpu.yield
    }) : () -> ()
    return
  }
}

#map = affine_map<(d0, d1) -> (0, 0)>
#map1 = affine_map<(d0, d1) -> (0)>
#map2 = affine_map<(d0, d1) -> (0, 0, 0)>
module attributes {stable_mosaic.version = 14 : i64} {
  func.func @_edge_body(%arg0: i32, %arg1: i32, %arg2: memref<40000x128xf32, #tpu.memory_space<hbm>>, %arg3: memref<320000xi32, #tpu.memory_space<hbm>>, %arg4: memref<320000xi32, #tpu.memory_space<hbm>>, %arg5: memref<640x128xf32, #tpu.memory_space<hbm>>, %arg6: memref<2x10240x128xf32, #tpu.memory_space<hbm>>, %arg7: memref<80xi32, #tpu.memory_space<vmem>>, %arg8: memref<80xi32, #tpu.memory_space<vmem>>, %arg9: memref<80x128xf32, #tpu.memory_space<vmem>>, %arg10: memref<10240x128xf32, #tpu.memory_space<vmem_shared>>, %arg11: memref<!tpu.dma_semaphore, #tpu.memory_space<semaphore_mem>>) attributes {dimension_semantics = [#tpu.dimension_semantics<core_parallel>, #tpu.dimension_semantics<subcore_parallel>], iteration_bounds = array<i64: 2, 16>, scalar_prefetch = 0 : i64, scratch_operands = 5 : i64, tpu.core_type = #tpu.core_type<sc_vector_subcore>, window_params = [{transform_indices = #map}, {transform_indices = #map1}, {transform_indices = #map1}, {transform_indices = #map}, {transform_indices = #map2}]} {
    %mul3A = arith.constant 640 : i32
    %mul3A_0 = arith.muli %arg1, %mul3A : i32
    "tpu.region"() ({
      %run_scoped3A = tpu.sem_alloc : memref<!tpu.dma_semaphore, #tpu.memory_space<semaphore_mem>>
      %dma_start3A = arith.constant 0 : i32
      %dma_start3A_15 = tpu.memref_slice %arg10[%mul3A_0, %dma_start3A] : memref<10240x128xf32, #tpu.memory_space<vmem_shared>> -> memref<640x128xf32, #tpu.memory_space<vmem_shared>>
      tpu.enqueue_dma source(%arg5 : memref<640x128xf32, #tpu.memory_space<hbm>>) target(%dma_start3A_15 : memref<640x128xf32, #tpu.memory_space<vmem_shared>>) target_semaphore(%run_scoped3A : memref<!tpu.dma_semaphore, #tpu.memory_space<semaphore_mem>>)
      %dma_wait3A = arith.constant 0 : i32
      %dma_wait3A_16 = tpu.memref_slice %arg10[%mul3A_0, %dma_wait3A] : memref<10240x128xf32, #tpu.memory_space<vmem_shared>> -> memref<640x128xf32, #tpu.memory_space<vmem_shared>>
      tpu.wait_dma2 semaphore(%run_scoped3A : memref<!tpu.dma_semaphore, #tpu.memory_space<semaphore_mem>>) src(%arg5 : memref<640x128xf32, #tpu.memory_space<hbm>>) dst(%dma_wait3A_16 : memref<640x128xf32, #tpu.memory_space<vmem_shared>>)
      tpu.yield
    }) : () -> ()
    %barrier3A = arith.constant 0 : index
    tpu.barrier barrier_id(%barrier3A)
    %mul3A_1 = arith.constant 160000 : i32
    %mul3A_2 = arith.muli %arg0, %mul3A_1 : i32
    %mul3A_3 = arith.constant 10000 : i32
    %mul3A_4 = arith.muli %arg1, %mul3A_3 : i32
    %add3A = arith.addi %mul3A_2, %mul3A_4 : i32
    %scan3A = arith.constant 0 : i32
    %scan3A_5 = arith.constant 0 : i32
    %scan3A_6 = arith.constant 125 : i32
    %scan3A_7 = arith.addi %scan3A_5, %scan3A_6 : i32
    %scan3A_8 = arith.constant 1 : i32
    scf.for %scan3A_15 = %scan3A_5 to %scan3A_7 step %scan3A_8  : i32 {
      %mul3A_16 = arith.constant 80 : i32
      %mul3A_17 = arith.muli %scan3A_15, %mul3A_16 : i32
      %add3A_18 = arith.addi %add3A, %mul3A_17 : i32
      "tpu.region"() ({
        %run_scoped3A = tpu.sem_alloc : memref<!tpu.dma_semaphore, #tpu.memory_space<semaphore_mem>>
        %dma_start3A_23 = tpu.memref_slice %arg3[%add3A_18] : memref<320000xi32, #tpu.memory_space<hbm>> -> memref<80xi32, #tpu.memory_space<hbm>>
        %dma_start3A_24 = tpu.memref_slice %arg3[%add3A_18] : memref<320000xi32, #tpu.memory_space<hbm>> -> memref<80xi32, #tpu.memory_space<hbm>>
        tpu.enqueue_dma source(%dma_start3A_24 : memref<80xi32, #tpu.memory_space<hbm>>) target(%arg7 : memref<80xi32, #tpu.memory_space<vmem>>) target_semaphore(%run_scoped3A : memref<!tpu.dma_semaphore, #tpu.memory_space<semaphore_mem>>)
        %dma_wait3A_25 = tpu.memref_slice %arg3[%add3A_18] : memref<320000xi32, #tpu.memory_space<hbm>> -> memref<80xi32, #tpu.memory_space<hbm>>
        %dma_wait3A_26 = tpu.memref_slice %arg3[%add3A_18] : memref<320000xi32, #tpu.memory_space<hbm>> -> memref<80xi32, #tpu.memory_space<hbm>>
        tpu.wait_dma2 semaphore(%run_scoped3A : memref<!tpu.dma_semaphore, #tpu.memory_space<semaphore_mem>>) src(%dma_wait3A_26 : memref<80xi32, #tpu.memory_space<hbm>>) dst(%arg7 : memref<80xi32, #tpu.memory_space<vmem>>)
        tpu.yield
      }) : () -> ()
      "tpu.region"() ({
        %run_scoped3A = tpu.sem_alloc : memref<!tpu.dma_semaphore, #tpu.memory_space<semaphore_mem>>
        %dma_start3A_23 = tpu.memref_slice %arg4[%add3A_18] : memref<320000xi32, #tpu.memory_space<hbm>> -> memref<80xi32, #tpu.memory_space<hbm>>
        %dma_start3A_24 = tpu.memref_slice %arg4[%add3A_18] : memref<320000xi32, #tpu.memory_space<hbm>> -> memref<80xi32, #tpu.memory_space<hbm>>
        tpu.enqueue_dma source(%dma_start3A_24 : memref<80xi32, #tpu.memory_space<hbm>>) target(%arg8 : memref<80xi32, #tpu.memory_space<vmem>>) target_semaphore(%run_scoped3A : memref<!tpu.dma_semaphore, #tpu.memory_space<semaphore_mem>>)
        %dma_wait3A_25 = tpu.memref_slice %arg4[%add3A_18] : memref<320000xi32, #tpu.memory_space<hbm>> -> memref<80xi32, #tpu.memory_space<hbm>>
        %dma_wait3A_26 = tpu.memref_slice %arg4[%add3A_18] : memref<320000xi32, #tpu.memory_space<hbm>> -> memref<80xi32, #tpu.memory_space<hbm>>
        tpu.wait_dma2 semaphore(%run_scoped3A : memref<!tpu.dma_semaphore, #tpu.memory_space<semaphore_mem>>) src(%dma_wait3A_26 : memref<80xi32, #tpu.memory_space<hbm>>) dst(%arg8 : memref<80xi32, #tpu.memory_space<vmem>>)
        tpu.yield
      }) : () -> ()
      %dma_start3A = arith.constant 0 : i32
      %dma_start3A_19 = arith.constant 0 : i32
      %dma_start3A_20 = tpu.memref_slice %arg2[%dma_start3A, %dma_start3A_19] : memref<40000x128xf32, #tpu.memory_space<hbm>> -> memref<40000x128xf32, #tpu.memory_space<hbm>>
      tpu.enqueue_indirect_dma source(%dma_start3A_20 : memref<40000x128xf32, #tpu.memory_space<hbm>>) target(%arg9 : memref<80x128xf32, #tpu.memory_space<vmem>>) offsets(%arg7 : memref<80xi32, #tpu.memory_space<vmem>>) semaphore(%arg11 : memref<!tpu.dma_semaphore, #tpu.memory_space<semaphore_mem>>)
      %dma_wait3A = arith.constant 0 : i32
      %dma_wait3A_21 = arith.constant 0 : i32
      %dma_wait3A_22 = tpu.memref_slice %arg2[%dma_wait3A, %dma_wait3A_21] : memref<40000x128xf32, #tpu.memory_space<hbm>> -> memref<40000x128xf32, #tpu.memory_space<hbm>>
      tpu.wait_indirect_dma semaphore(%arg11 : memref<!tpu.dma_semaphore, #tpu.memory_space<semaphore_mem>>) src(%dma_wait3A_22 : memref<40000x128xf32, #tpu.memory_space<hbm>>) dst(%arg9 : memref<80x128xf32, #tpu.memory_space<vmem>>)
      "tpu.region"() ({
        %run_scoped3A = tpu.sem_alloc : memref<!tpu.dma_semaphore, #tpu.memory_space<semaphore_mem>>
        %dma_start3A_23 = arith.constant 0 : i32
        %dma_start3A_24 = arith.constant 0 : i32
        %dma_start3A_25 = tpu.memref_slice %arg10[%dma_start3A_23, %dma_start3A_24] : memref<10240x128xf32, #tpu.memory_space<vmem_shared>> -> memref<10240x128xf32, #tpu.memory_space<vmem_shared>>
        tpu.enqueue_indirect_dma source(%arg9 : memref<80x128xf32, #tpu.memory_space<vmem>>) target(%dma_start3A_25 : memref<10240x128xf32, #tpu.memory_space<vmem_shared>>) offsets(%arg8 : memref<80xi32, #tpu.memory_space<vmem>>) semaphore(%run_scoped3A : memref<!tpu.dma_semaphore, #tpu.memory_space<semaphore_mem>>) {add = true}
        %dma_wait3A_26 = arith.constant 0 : i32
        %dma_wait3A_27 = arith.constant 0 : i32
        %dma_wait3A_28 = tpu.memref_slice %arg10[%dma_wait3A_26, %dma_wait3A_27] : memref<10240x128xf32, #tpu.memory_space<vmem_shared>> -> memref<10240x128xf32, #tpu.memory_space<vmem_shared>>
        tpu.wait_indirect_dma semaphore(%run_scoped3A : memref<!tpu.dma_semaphore, #tpu.memory_space<semaphore_mem>>) src(%arg9 : memref<80x128xf32, #tpu.memory_space<vmem>>) dst(%dma_wait3A_28 : memref<10240x128xf32, #tpu.memory_space<vmem_shared>>)
        tpu.yield
      }) : () -> ()
    }
    %scan3A_9 = arith.constant 125 : i32
    %barrier3A_10 = arith.constant 0 : index
    tpu.barrier barrier_id(%barrier3A_10)
    %mul3A_11 = arith.constant 640 : i32
    %mul3A_12 = arith.muli %arg1, %mul3A_11 : i32
    %mul3A_13 = arith.constant 640 : i32
    %mul3A_14 = arith.muli %arg1, %mul3A_13 : i32
    "tpu.region"() ({
      %run_scoped3A = tpu.sem_alloc : memref<!tpu.dma_semaphore, #tpu.memory_space<semaphore_mem>>
      %dma_start3A = arith.constant 0 : i32
      %dma_start3A_15 = tpu.memref_slice %arg6[%arg0, %mul3A_14, %dma_start3A] : memref<2x10240x128xf32, #tpu.memory_space<hbm>> -> memref<1x640x128xf32, #tpu.memory_space<hbm>>
      %dma_start3A_16 = tpu.memref_squeeze %dma_start3A_15 : memref<1x640x128xf32, #tpu.memory_space<hbm>> -> memref<640x128xf32, #tpu.memory_space<hbm>>
      %dma_start3A_17 = arith.constant 0 : i32
      %dma_start3A_18 = tpu.memref_slice %arg10[%mul3A_12, %dma_start3A_17] : memref<10240x128xf32, #tpu.memory_space<vmem_shared>> -> memref<640x128xf32, #tpu.memory_space<vmem_shared>>
      tpu.enqueue_dma source(%dma_start3A_18 : memref<640x128xf32, #tpu.memory_space<vmem_shared>>) target(%dma_start3A_16 : memref<640x128xf32, #tpu.memory_space<hbm>>) target_semaphore(%run_scoped3A : memref<!tpu.dma_semaphore, #tpu.memory_space<semaphore_mem>>)
      %dma_wait3A = arith.constant 0 : i32
      %dma_wait3A_19 = tpu.memref_slice %arg6[%arg0, %mul3A_14, %dma_wait3A] : memref<2x10240x128xf32, #tpu.memory_space<hbm>> -> memref<1x640x128xf32, #tpu.memory_space<hbm>>
      %dma_wait3A_20 = tpu.memref_squeeze %dma_wait3A_19 : memref<1x640x128xf32, #tpu.memory_space<hbm>> -> memref<640x128xf32, #tpu.memory_space<hbm>>
      %dma_wait3A_21 = arith.constant 0 : i32
      %dma_wait3A_22 = tpu.memref_slice %arg10[%mul3A_12, %dma_wait3A_21] : memref<10240x128xf32, #tpu.memory_space<vmem_shared>> -> memref<640x128xf32, #tpu.memory_space<vmem_shared>>
      tpu.wait_dma2 semaphore(%run_scoped3A : memref<!tpu.dma_semaphore, #tpu.memory_space<semaphore_mem>>) src(%dma_wait3A_22 : memref<640x128xf32, #tpu.memory_space<vmem_shared>>) dst(%dma_wait3A_20 : memref<640x128xf32, #tpu.memory_space<hbm>>)
      tpu.yield
    }) : () -> ()
    return
  }
}

#map = affine_map<(d0, d1) -> (0, 0)>
#map1 = affine_map<(d0, d1) -> (0)>
#map2 = affine_map<(d0, d1) -> (0, 0, 0)>
module attributes {stable_mosaic.version = 14 : i64} {
  func.func @_edge_body(%arg0: i32, %arg1: i32, %arg2: memref<40000x128xf32, #tpu.memory_space<hbm>>, %arg3: memref<320000xi32, #tpu.memory_space<hbm>>, %arg4: memref<320000xi32, #tpu.memory_space<hbm>>, %arg5: memref<640x128xf32, #tpu.memory_space<hbm>>, %arg6: memref<2x10240x128xf32, #tpu.memory_space<hbm>>, %arg7: memref<80xi32, #tpu.memory_space<vmem>>, %arg8: memref<80xi32, #tpu.memory_space<vmem>>, %arg9: memref<80x128xf32, #tpu.memory_space<vmem>>, %arg10: memref<10240x128xf32, #tpu.memory_space<vmem_shared>>, %arg11: memref<!tpu.dma_semaphore, #tpu.memory_space<semaphore_mem>>) attributes {dimension_semantics = [#tpu.dimension_semantics<core_parallel>, #tpu.dimension_semantics<subcore_parallel>], iteration_bounds = array<i64: 2, 16>, scalar_prefetch = 0 : i64, scratch_operands = 5 : i64, tpu.core_type = #tpu.core_type<sc_vector_subcore>, window_params = [{transform_indices = #map}, {transform_indices = #map1}, {transform_indices = #map1}, {transform_indices = #map}, {transform_indices = #map2}]} {
    %mul3A = arith.constant 640 : i32
    %mul3A_0 = arith.muli %arg1, %mul3A : i32
    "tpu.region"() ({
      %run_scoped3A = tpu.sem_alloc : memref<!tpu.dma_semaphore, #tpu.memory_space<semaphore_mem>>
      %dma_start3A = arith.constant 0 : i32
      %dma_start3A_15 = tpu.memref_slice %arg10[%mul3A_0, %dma_start3A] : memref<10240x128xf32, #tpu.memory_space<vmem_shared>> -> memref<640x128xf32, #tpu.memory_space<vmem_shared>>
      tpu.enqueue_dma source(%arg5 : memref<640x128xf32, #tpu.memory_space<hbm>>) target(%dma_start3A_15 : memref<640x128xf32, #tpu.memory_space<vmem_shared>>) target_semaphore(%run_scoped3A : memref<!tpu.dma_semaphore, #tpu.memory_space<semaphore_mem>>)
      %dma_wait3A = arith.constant 0 : i32
      %dma_wait3A_16 = tpu.memref_slice %arg10[%mul3A_0, %dma_wait3A] : memref<10240x128xf32, #tpu.memory_space<vmem_shared>> -> memref<640x128xf32, #tpu.memory_space<vmem_shared>>
      tpu.wait_dma2 semaphore(%run_scoped3A : memref<!tpu.dma_semaphore, #tpu.memory_space<semaphore_mem>>) src(%arg5 : memref<640x128xf32, #tpu.memory_space<hbm>>) dst(%dma_wait3A_16 : memref<640x128xf32, #tpu.memory_space<vmem_shared>>)
      tpu.yield
    }) : () -> ()
    %barrier3A = arith.constant 0 : index
    tpu.barrier barrier_id(%barrier3A)
    %mul3A_1 = arith.constant 160000 : i32
    %mul3A_2 = arith.muli %arg0, %mul3A_1 : i32
    %mul3A_3 = arith.constant 10000 : i32
    %mul3A_4 = arith.muli %arg1, %mul3A_3 : i32
    %add3A = arith.addi %mul3A_2, %mul3A_4 : i32
    %scan3A = arith.constant 0 : i32
    %scan3A_5 = arith.constant 0 : i32
    %scan3A_6 = arith.constant 125 : i32
    %scan3A_7 = arith.addi %scan3A_5, %scan3A_6 : i32
    %scan3A_8 = arith.constant 1 : i32
    scf.for %scan3A_15 = %scan3A_5 to %scan3A_7 step %scan3A_8  : i32 {
      %mul3A_16 = arith.constant 80 : i32
      %mul3A_17 = arith.muli %scan3A_15, %mul3A_16 : i32
      %add3A_18 = arith.addi %add3A, %mul3A_17 : i32
      "tpu.region"() ({
        %run_scoped3A = tpu.sem_alloc : memref<!tpu.dma_semaphore, #tpu.memory_space<semaphore_mem>>
        %dma_start3A_23 = tpu.memref_slice %arg3[%add3A_18] : memref<320000xi32, #tpu.memory_space<hbm>> -> memref<80xi32, #tpu.memory_space<hbm>>
        %dma_start3A_24 = tpu.memref_slice %arg3[%add3A_18] : memref<320000xi32, #tpu.memory_space<hbm>> -> memref<80xi32, #tpu.memory_space<hbm>>
        tpu.enqueue_dma source(%dma_start3A_24 : memref<80xi32, #tpu.memory_space<hbm>>) target(%arg7 : memref<80xi32, #tpu.memory_space<vmem>>) target_semaphore(%run_scoped3A : memref<!tpu.dma_semaphore, #tpu.memory_space<semaphore_mem>>)
        %dma_wait3A_25 = tpu.memref_slice %arg3[%add3A_18] : memref<320000xi32, #tpu.memory_space<hbm>> -> memref<80xi32, #tpu.memory_space<hbm>>
        %dma_wait3A_26 = tpu.memref_slice %arg3[%add3A_18] : memref<320000xi32, #tpu.memory_space<hbm>> -> memref<80xi32, #tpu.memory_space<hbm>>
        tpu.wait_dma2 semaphore(%run_scoped3A : memref<!tpu.dma_semaphore, #tpu.memory_space<semaphore_mem>>) src(%dma_wait3A_26 : memref<80xi32, #tpu.memory_space<hbm>>) dst(%arg7 : memref<80xi32, #tpu.memory_space<vmem>>)
        tpu.yield
      }) : () -> ()
      "tpu.region"() ({
        %run_scoped3A = tpu.sem_alloc : memref<!tpu.dma_semaphore, #tpu.memory_space<semaphore_mem>>
        %dma_start3A_23 = tpu.memref_slice %arg4[%add3A_18] : memref<320000xi32, #tpu.memory_space<hbm>> -> memref<80xi32, #tpu.memory_space<hbm>>
        %dma_start3A_24 = tpu.memref_slice %arg4[%add3A_18] : memref<320000xi32, #tpu.memory_space<hbm>> -> memref<80xi32, #tpu.memory_space<hbm>>
        tpu.enqueue_dma source(%dma_start3A_24 : memref<80xi32, #tpu.memory_space<hbm>>) target(%arg8 : memref<80xi32, #tpu.memory_space<vmem>>) target_semaphore(%run_scoped3A : memref<!tpu.dma_semaphore, #tpu.memory_space<semaphore_mem>>)
        %dma_wait3A_25 = tpu.memref_slice %arg4[%add3A_18] : memref<320000xi32, #tpu.memory_space<hbm>> -> memref<80xi32, #tpu.memory_space<hbm>>
        %dma_wait3A_26 = tpu.memref_slice %arg4[%add3A_18] : memref<320000xi32, #tpu.memory_space<hbm>> -> memref<80xi32, #tpu.memory_space<hbm>>
        tpu.wait_dma2 semaphore(%run_scoped3A : memref<!tpu.dma_semaphore, #tpu.memory_space<semaphore_mem>>) src(%dma_wait3A_26 : memref<80xi32, #tpu.memory_space<hbm>>) dst(%arg8 : memref<80xi32, #tpu.memory_space<vmem>>)
        tpu.yield
      }) : () -> ()
      %dma_start3A = arith.constant 0 : i32
      %dma_start3A_19 = arith.constant 0 : i32
      %dma_start3A_20 = tpu.memref_slice %arg2[%dma_start3A, %dma_start3A_19] : memref<40000x128xf32, #tpu.memory_space<hbm>> -> memref<40000x128xf32, #tpu.memory_space<hbm>>
      tpu.enqueue_indirect_dma source(%dma_start3A_20 : memref<40000x128xf32, #tpu.memory_space<hbm>>) target(%arg9 : memref<80x128xf32, #tpu.memory_space<vmem>>) offsets(%arg7 : memref<80xi32, #tpu.memory_space<vmem>>) semaphore(%arg11 : memref<!tpu.dma_semaphore, #tpu.memory_space<semaphore_mem>>)
      %dma_wait3A = arith.constant 0 : i32
      %dma_wait3A_21 = arith.constant 0 : i32
      %dma_wait3A_22 = tpu.memref_slice %arg2[%dma_wait3A, %dma_wait3A_21] : memref<40000x128xf32, #tpu.memory_space<hbm>> -> memref<40000x128xf32, #tpu.memory_space<hbm>>
      tpu.wait_indirect_dma semaphore(%arg11 : memref<!tpu.dma_semaphore, #tpu.memory_space<semaphore_mem>>) src(%dma_wait3A_22 : memref<40000x128xf32, #tpu.memory_space<hbm>>) dst(%arg9 : memref<80x128xf32, #tpu.memory_space<vmem>>)
      "tpu.region"() ({
        %run_scoped3A = tpu.sem_alloc : memref<!tpu.dma_semaphore, #tpu.memory_space<semaphore_mem>>
        %dma_start3A_23 = arith.constant 0 : i32
        %dma_start3A_24 = arith.constant 0 : i32
        %dma_start3A_25 = tpu.memref_slice %arg10[%dma_start3A_23, %dma_start3A_24] : memref<10240x128xf32, #tpu.memory_space<vmem_shared>> -> memref<10240x128xf32, #tpu.memory_space<vmem_shared>>
        tpu.enqueue_indirect_dma source(%arg9 : memref<80x128xf32, #tpu.memory_space<vmem>>) target(%dma_start3A_25 : memref<10240x128xf32, #tpu.memory_space<vmem_shared>>) offsets(%arg8 : memref<80xi32, #tpu.memory_space<vmem>>) semaphore(%run_scoped3A : memref<!tpu.dma_semaphore, #tpu.memory_space<semaphore_mem>>) {add = true}
        %dma_wait3A_26 = arith.constant 0 : i32
        %dma_wait3A_27 = arith.constant 0 : i32
        %dma_wait3A_28 = tpu.memref_slice %arg10[%dma_wait3A_26, %dma_wait3A_27] : memref<10240x128xf32, #tpu.memory_space<vmem_shared>> -> memref<10240x128xf32, #tpu.memory_space<vmem_shared>>
        tpu.wait_indirect_dma semaphore(%run_scoped3A : memref<!tpu.dma_semaphore, #tpu.memory_space<semaphore_mem>>) src(%arg9 : memref<80x128xf32, #tpu.memory_space<vmem>>) dst(%dma_wait3A_28 : memref<10240x128xf32, #tpu.memory_space<vmem_shared>>)
        tpu.yield
      }) : () -> ()
    }
    %scan3A_9 = arith.constant 125 : i32
    %barrier3A_10 = arith.constant 0 : index
    tpu.barrier barrier_id(%barrier3A_10)
    %mul3A_11 = arith.constant 640 : i32
    %mul3A_12 = arith.muli %arg1, %mul3A_11 : i32
    %mul3A_13 = arith.constant 640 : i32
    %mul3A_14 = arith.muli %arg1, %mul3A_13 : i32
    "tpu.region"() ({
      %run_scoped3A = tpu.sem_alloc : memref<!tpu.dma_semaphore, #tpu.memory_space<semaphore_mem>>
      %dma_start3A = arith.constant 0 : i32
      %dma_start3A_15 = tpu.memref_slice %arg6[%arg0, %mul3A_14, %dma_start3A] : memref<2x10240x128xf32, #tpu.memory_space<hbm>> -> memref<1x640x128xf32, #tpu.memory_space<hbm>>
      %dma_start3A_16 = tpu.memref_squeeze %dma_start3A_15 : memref<1x640x128xf32, #tpu.memory_space<hbm>> -> memref<640x128xf32, #tpu.memory_space<hbm>>
      %dma_start3A_17 = arith.constant 0 : i32
      %dma_start3A_18 = tpu.memref_slice %arg10[%mul3A_12, %dma_start3A_17] : memref<10240x128xf32, #tpu.memory_space<vmem_shared>> -> memref<640x128xf32, #tpu.memory_space<vmem_shared>>
      tpu.enqueue_dma source(%dma_start3A_18 : memref<640x128xf32, #tpu.memory_space<vmem_shared>>) target(%dma_start3A_16 : memref<640x128xf32, #tpu.memory_space<hbm>>) target_semaphore(%run_scoped3A : memref<!tpu.dma_semaphore, #tpu.memory_space<semaphore_mem>>)
      %dma_wait3A = arith.constant 0 : i32
      %dma_wait3A_19 = tpu.memref_slice %arg6[%arg0, %mul3A_14, %dma_wait3A] : memref<2x10240x128xf32, #tpu.memory_space<hbm>> -> memref<1x640x128xf32, #tpu.memory_space<hbm>>
      %dma_wait3A_20 = tpu.memref_squeeze %dma_wait3A_19 : memref<1x640x128xf32, #tpu.memory_space<hbm>> -> memref<640x128xf32, #tpu.memory_space<hbm>>
      %dma_wait3A_21 = arith.constant 0 : i32
      %dma_wait3A_22 = tpu.memref_slice %arg10[%mul3A_12, %dma_wait3A_21] : memref<10240x128xf32, #tpu.memory_space<vmem_shared>> -> memref<640x128xf32, #tpu.memory_space<vmem_shared>>
      tpu.wait_dma2 semaphore(%run_scoped3A : memref<!tpu.dma_semaphore, #tpu.memory_space<semaphore_mem>>) src(%dma_wait3A_22 : memref<640x128xf32, #tpu.memory_space<vmem_shared>>) dst(%dma_wait3A_20 : memref<640x128xf32, #tpu.memory_space<hbm>>)
      tpu.yield
    }) : () -> ()
    return
  }
}

module attributes {stable_mosaic.version = 14 : i64} {
  func.func @_encode_body(%arg0: memref<10000x128xf32, #tpu.memory_space<vmem>>, %arg1: memref<128x128xf32, #tpu.memory_space<vmem>>, %arg2: memref<1x128xf32, #tpu.memory_space<vmem>>, %arg3: memref<4x128xf32, #tpu.memory_space<vmem>>, %arg4: memref<10000x128xf32, #tpu.memory_space<vmem>>, %arg5: memref<4x10000x128xf32, #tpu.memory_space<vmem>>, %arg6: memref<10000x128xf32, #tpu.memory_space<vmem>>) attributes {dimension_semantics = [], scalar_prefetch = 0 : i64, scratch_operands = 1 : i64, tpu.core_type = #tpu.core_type<tc>} {
    %get3A = arith.constant 0 : index
    %get3A_0 = arith.constant 0 : index
    %get3A_1 = vector.load %arg0[%get3A, %get3A_0] : memref<10000x128xf32, #tpu.memory_space<vmem>>, vector<10000x128xf32>
    %get3A_2 = arith.constant 0 : index
    %get3A_3 = arith.constant 0 : index
    %get3A_4 = vector.load %arg1[%get3A_2, %get3A_3] : memref<128x128xf32, #tpu.memory_space<vmem>>, vector<128x128xf32>
    %convert_element_type3A = arith.truncf %get3A_1 : vector<10000x128xf32> to vector<10000x128xbf16>
    %convert_element_type3A_5 = arith.extf %convert_element_type3A : vector<10000x128xbf16> to vector<10000x128xf32>
    %sub3A = arith.subf %get3A_1, %convert_element_type3A_5 : vector<10000x128xf32>
    %convert_element_type3A_6 = arith.truncf %sub3A : vector<10000x128xf32> to vector<10000x128xbf16>
    %convert_element_type3A_7 = arith.truncf %get3A_4 : vector<128x128xf32> to vector<128x128xbf16>
    %convert_element_type3A_8 = arith.extf %convert_element_type3A_7 : vector<128x128xbf16> to vector<128x128xf32>
    %sub3A_9 = arith.subf %get3A_4, %convert_element_type3A_8 : vector<128x128xf32>
    %convert_element_type3A_10 = arith.truncf %sub3A_9 : vector<128x128xf32> to vector<128x128xbf16>
    %dot_general3A = arith.constant dense<0.000000e+00> : vector<10000x128xf32>
    %dot_general3A_11 = tpu.matmul %convert_element_type3A_6, %convert_element_type3A_7, %dot_general3A {dimension_numbers = #tpu.dot_dimension_numbers<[1], [0], [0], [1], [0, 0, 1, 1], [], []>, transpose_lhs_hint = false} : vector<10000x128xbf16>, vector<128x128xbf16>, vector<10000x128xf32> -> vector<10000x128xf32>
    %swap3A = arith.constant 0 : index
    %swap3A_12 = arith.constant 0 : index
    %swap3A_13 = vector.load %arg6[%swap3A, %swap3A_12] : memref<10000x128xf32, #tpu.memory_space<vmem>>, vector<10000x128xf32>
    tpu.vector_store %arg6[%swap3A, %swap3A_12], %dot_general3A_11 {strides = array<i32>} : memref<10000x128xf32, #tpu.memory_space<vmem>>, vector<10000x128xf32>,
    %dot_general3A_14 = arith.constant dense<0.000000e+00> : vector<10000x128xf32>
    %dot_general3A_15 = tpu.matmul %convert_element_type3A, %convert_element_type3A_10, %dot_general3A_14 {dimension_numbers = #tpu.dot_dimension_numbers<[1], [0], [0], [1], [0, 0, 1, 1], [], []>, transpose_lhs_hint = false} : vector<10000x128xbf16>, vector<128x128xbf16>, vector<10000x128xf32> -> vector<10000x128xf32>
    %get3A_16 = arith.constant 0 : index
    %get3A_17 = arith.constant 0 : index
    %get3A_18 = vector.load %arg6[%get3A_16, %get3A_17] : memref<10000x128xf32, #tpu.memory_space<vmem>>, vector<10000x128xf32>
    %add3A = arith.addf %dot_general3A_15, %get3A_18 : vector<10000x128xf32>
    %dot_general3A_19 = arith.constant dense<0.000000e+00> : vector<10000x128xf32>
    %dot_general3A_20 = tpu.matmul %convert_element_type3A, %convert_element_type3A_7, %dot_general3A_19 {dimension_numbers = #tpu.dot_dimension_numbers<[1], [0], [0], [1], [0, 0, 1, 1], [], []>, transpose_lhs_hint = false} : vector<10000x128xbf16>, vector<128x128xbf16>, vector<10000x128xf32> -> vector<10000x128xf32>
    %add3A_21 = arith.addf %add3A, %dot_general3A_20 : vector<10000x128xf32>
    %get3A_22 = arith.constant 0 : index
    %get3A_23 = arith.constant 0 : index
    %get3A_24 = vector.load %arg2[%get3A_22, %get3A_23] : memref<1x128xf32, #tpu.memory_space<vmem>>, vector<1x128xf32>
    %add3A_25 = vector.broadcast %get3A_24 : vector<1x128xf32> to vector<10000x128xf32>
    %add3A_26 = arith.addf %add3A_21, %add3A_25 : vector<10000x128xf32>
    %swap3A_27 = arith.constant 0 : index
    %swap3A_28 = arith.constant 0 : index
    %swap3A_29 = vector.load %arg4[%swap3A_27, %swap3A_28] : memref<10000x128xf32, #tpu.memory_space<vmem>>, vector<10000x128xf32>
    tpu.vector_store %arg4[%swap3A_27, %swap3A_28], %add3A_26 {strides = array<i32>} : memref<10000x128xf32, #tpu.memory_space<vmem>>, vector<10000x128xf32>,
    %get3A_30 = arith.constant 0 : index
    %get3A_31 = arith.constant 0 : index
    %get3A_32 = vector.load %arg3[%get3A_30, %get3A_31] : memref<4x128xf32, #tpu.memory_space<vmem>>, vector<1x128xf32>
    %add3A_33 = vector.broadcast %get3A_32 : vector<1x128xf32> to vector<10000x128xf32>
    %add3A_34 = arith.addf %add3A_26, %add3A_33 : vector<10000x128xf32>
    %max3A = arith.constant 0.000000e+00 : f32
    %max3A_35 = vector.broadcast %max3A : f32 to vector<10000x128xf32>
    %max3A_36 = arith.maximumf %add3A_34, %max3A_35 : vector<10000x128xf32>
    %broadcast_in_dim3A = vector.shape_cast %max3A_36 : vector<10000x128xf32> to vector<1x10000x128xf32>
    %swap3A_37 = arith.constant 0 : index
    %swap3A_38 = arith.constant 0 : index
    %swap3A_39 = arith.constant 0 : index
    %swap3A_40 = vector.load %arg5[%swap3A_37, %swap3A_38, %swap3A_39] : memref<4x10000x128xf32, #tpu.memory_space<vmem>>, vector<1x10000x128xf32>
    tpu.vector_store %arg5[%swap3A_37, %swap3A_38, %swap3A_39], %broadcast_in_dim3A {strides = array<i32>} : memref<4x10000x128xf32, #tpu.memory_space<vmem>>, vector<1x10000x128xf32>,
    %get3A_41 = arith.constant 1 : index
    %get3A_42 = arith.constant 0 : index
    %get3A_43 = vector.load %arg3[%get3A_41, %get3A_42] : memref<4x128xf32, #tpu.memory_space<vmem>>, vector<1x128xf32>
    %add3A_44 = vector.broadcast %get3A_43 : vector<1x128xf32> to vector<10000x128xf32>
    %add3A_45 = arith.addf %add3A_26, %add3A_44 : vector<10000x128xf32>
    %max3A_46 = arith.constant 0.000000e+00 : f32
    %max3A_47 = vector.broadcast %max3A_46 : f32 to vector<10000x128xf32>
    %max3A_48 = arith.maximumf %add3A_45, %max3A_47 : vector<10000x128xf32>
    %broadcast_in_dim3A_49 = vector.shape_cast %max3A_48 : vector<10000x128xf32> to vector<1x10000x128xf32>
    %swap3A_50 = arith.constant 1 : index
    %swap3A_51 = arith.constant 0 : index
    %swap3A_52 = arith.constant 0 : index
    %swap3A_53 = vector.load %arg5[%swap3A_50, %swap3A_51, %swap3A_52] : memref<4x10000x128xf32, #tpu.memory_space<vmem>>, vector<1x10000x128xf32>
    tpu.vector_store %arg5[%swap3A_50, %swap3A_51, %swap3A_52], %broadcast_in_dim3A_49 {strides = array<i32>} : memref<4x10000x128xf32, #tpu.memory_space<vmem>>, vector<1x10000x128xf32>,
    %get3A_54 = arith.constant 2 : index
    %get3A_55 = arith.constant 0 : index
    %get3A_56 = vector.load %arg3[%get3A_54, %get3A_55] : memref<4x128xf32, #tpu.memory_space<vmem>>, vector<1x128xf32>
    %add3A_57 = vector.broadcast %get3A_56 : vector<1x128xf32> to vector<10000x128xf32>
    %add3A_58 = arith.addf %add3A_26, %add3A_57 : vector<10000x128xf32>
    %max3A_59 = arith.constant 0.000000e+00 : f32
    %max3A_60 = vector.broadcast %max3A_59 : f32 to vector<10000x128xf32>
    %max3A_61 = arith.maximumf %add3A_58, %max3A_60 : vector<10000x128xf32>
    %broadcast_in_dim3A_62 = vector.shape_cast %max3A_61 : vector<10000x128xf32> to vector<1x10000x128xf32>
    %swap3A_63 = arith.constant 2 : index
    %swap3A_64 = arith.constant 0 : index
    %swap3A_65 = arith.constant 0 : index
    %swap3A_66 = vector.load %arg5[%swap3A_63, %swap3A_64, %swap3A_65] : memref<4x10000x128xf32, #tpu.memory_space<vmem>>, vector<1x10000x128xf32>
    tpu.vector_store %arg5[%swap3A_63, %swap3A_64, %swap3A_65], %broadcast_in_dim3A_62 {strides = array<i32>} : memref<4x10000x128xf32, #tpu.memory_space<vmem>>, vector<1x10000x128xf32>,
    %get3A_67 = arith.constant 3 : index
    %get3A_68 = arith.constant 0 : index
    %get3A_69 = vector.load %arg3[%get3A_67, %get3A_68] : memref<4x128xf32, #tpu.memory_space<vmem>>, vector<1x128xf32>
    %add3A_70 = vector.broadcast %get3A_69 : vector<1x128xf32> to vector<10000x128xf32>
    %add3A_71 = arith.addf %add3A_26, %add3A_70 : vector<10000x128xf32>
    %max3A_72 = arith.constant 0.000000e+00 : f32
    %max3A_73 = vector.broadcast %max3A_72 : f32 to vector<10000x128xf32>
    %max3A_74 = arith.maximumf %add3A_71, %max3A_73 : vector<10000x128xf32>
    %broadcast_in_dim3A_75 = vector.shape_cast %max3A_74 : vector<10000x128xf32> to vector<1x10000x128xf32>
    %swap3A_76 = arith.constant 3 : index
    %swap3A_77 = arith.constant 0 : index
    %swap3A_78 = arith.constant 0 : index
    %swap3A_79 = vector.load %arg5[%swap3A_76, %swap3A_77, %swap3A_78] : memref<4x10000x128xf32, #tpu.memory_space<vmem>>, vector<1x10000x128xf32>
    tpu.vector_store %arg5[%swap3A_76, %swap3A_77, %swap3A_78], %broadcast_in_dim3A_75 {strides = array<i32>} : memref<4x10000x128xf32, #tpu.memory_space<vmem>>, vector<1x10000x128xf32>,
    return
  }
}

module attributes {stable_mosaic.version = 14 : i64} {
  func.func @_mlp_mid_body(%arg0: memref<10000x128xf32, #tpu.memory_space<vmem>>, %arg1: memref<10000x128xf32, #tpu.memory_space<vmem>>, %arg2: memref<128x128xf32, #tpu.memory_space<vmem>>, %arg3: memref<1x128xf32, #tpu.memory_space<vmem>>, %arg4: memref<128x128xf32, #tpu.memory_space<vmem>>, %arg5: memref<1x128xf32, #tpu.memory_space<vmem>>, %arg6: memref<1x128xf32, #tpu.memory_space<vmem>>, %arg7: memref<1x128xf32, #tpu.memory_space<vmem>>, %arg8: memref<4x128xf32, #tpu.memory_space<vmem>>, %arg9: memref<10000x128xf32, #tpu.memory_space<vmem>>, %arg10: memref<4x10000x128xf32, #tpu.memory_space<vmem>>, %arg11: memref<10000x128xf32, #tpu.memory_space<vmem>>) attributes {dimension_semantics = [], scalar_prefetch = 0 : i64, scratch_operands = 1 : i64, tpu.core_type = #tpu.core_type<tc>} {
    %get3A = arith.constant 0 : index
    %get3A_0 = arith.constant 0 : index
    %get3A_1 = vector.load %arg0[%get3A, %get3A_0] : memref<10000x128xf32, #tpu.memory_space<vmem>>, vector<10000x128xf32>
    %get3A_2 = arith.constant 0 : index
    %get3A_3 = arith.constant 0 : index
    %get3A_4 = vector.load %arg1[%get3A_2, %get3A_3] : memref<10000x128xf32, #tpu.memory_space<vmem>>, vector<10000x128xf32>
    %add3A = arith.addf %get3A_1, %get3A_4 : vector<10000x128xf32>
    %get3A_5 = arith.constant 0 : index
    %get3A_6 = arith.constant 0 : index
    %get3A_7 = vector.load %arg2[%get3A_5, %get3A_6] : memref<128x128xf32, #tpu.memory_space<vmem>>, vector<128x128xf32>
    %convert_element_type3A = arith.truncf %add3A : vector<10000x128xf32> to vector<10000x128xbf16>
    %convert_element_type3A_8 = arith.extf %convert_element_type3A : vector<10000x128xbf16> to vector<10000x128xf32>
    %sub3A = arith.subf %add3A, %convert_element_type3A_8 : vector<10000x128xf32>
    %convert_element_type3A_9 = arith.truncf %sub3A : vector<10000x128xf32> to vector<10000x128xbf16>
    %convert_element_type3A_10 = arith.truncf %get3A_7 : vector<128x128xf32> to vector<128x128xbf16>
    %convert_element_type3A_11 = arith.extf %convert_element_type3A_10 : vector<128x128xbf16> to vector<128x128xf32>
    %sub3A_12 = arith.subf %get3A_7, %convert_element_type3A_11 : vector<128x128xf32>
    %convert_element_type3A_13 = arith.truncf %sub3A_12 : vector<128x128xf32> to vector<128x128xbf16>
    %dot_general3A = arith.constant dense<0.000000e+00> : vector<10000x128xf32>
    %dot_general3A_14 = tpu.matmul %convert_element_type3A_9, %convert_element_type3A_10, %dot_general3A {dimension_numbers = #tpu.dot_dimension_numbers<[1], [0], [0], [1], [0, 0, 1, 1], [], []>, transpose_lhs_hint = false} : vector<10000x128xbf16>, vector<128x128xbf16>, vector<10000x128xf32> -> vector<10000x128xf32>
    %swap3A = arith.constant 0 : index
    %swap3A_15 = arith.constant 0 : index
    %swap3A_16 = vector.load %arg11[%swap3A, %swap3A_15] : memref<10000x128xf32, #tpu.memory_space<vmem>>, vector<10000x128xf32>
    tpu.vector_store %arg11[%swap3A, %swap3A_15], %dot_general3A_14 {strides = array<i32>} : memref<10000x128xf32, #tpu.memory_space<vmem>>, vector<10000x128xf32>,
    %dot_general3A_17 = arith.constant dense<0.000000e+00> : vector<10000x128xf32>
    %dot_general3A_18 = tpu.matmul %convert_element_type3A, %convert_element_type3A_13, %dot_general3A_17 {dimension_numbers = #tpu.dot_dimension_numbers<[1], [0], [0], [1], [0, 0, 1, 1], [], []>, transpose_lhs_hint = false} : vector<10000x128xbf16>, vector<128x128xbf16>, vector<10000x128xf32> -> vector<10000x128xf32>
    %get3A_19 = arith.constant 0 : index
    %get3A_20 = arith.constant 0 : index
    %get3A_21 = vector.load %arg11[%get3A_19, %get3A_20] : memref<10000x128xf32, #tpu.memory_space<vmem>>, vector<10000x128xf32>
    %add3A_22 = arith.addf %dot_general3A_18, %get3A_21 : vector<10000x128xf32>
    %dot_general3A_23 = arith.constant dense<0.000000e+00> : vector<10000x128xf32>
    %dot_general3A_24 = tpu.matmul %convert_element_type3A, %convert_element_type3A_10, %dot_general3A_23 {dimension_numbers = #tpu.dot_dimension_numbers<[1], [0], [0], [1], [0, 0, 1, 1], [], []>, transpose_lhs_hint = false} : vector<10000x128xbf16>, vector<128x128xbf16>, vector<10000x128xf32> -> vector<10000x128xf32>
    %add3A_25 = arith.addf %add3A_22, %dot_general3A_24 : vector<10000x128xf32>
    %get3A_26 = arith.constant 0 : index
    %get3A_27 = arith.constant 0 : index
    %get3A_28 = vector.load %arg3[%get3A_26, %get3A_27] : memref<1x128xf32, #tpu.memory_space<vmem>>, vector<1x128xf32>
    %add3A_29 = vector.broadcast %get3A_28 : vector<1x128xf32> to vector<10000x128xf32>
    %add3A_30 = arith.addf %add3A_25, %add3A_29 : vector<10000x128xf32>
    %max3A = arith.constant 0.000000e+00 : f32
    %max3A_31 = vector.broadcast %max3A : f32 to vector<10000x128xf32>
    %max3A_32 = arith.maximumf %add3A_30, %max3A_31 : vector<10000x128xf32>
    %get3A_33 = arith.constant 0 : index
    %get3A_34 = arith.constant 0 : index
    %get3A_35 = vector.load %arg4[%get3A_33, %get3A_34] : memref<128x128xf32, #tpu.memory_space<vmem>>, vector<128x128xf32>
    %convert_element_type3A_36 = arith.truncf %max3A_32 : vector<10000x128xf32> to vector<10000x128xbf16>
    %convert_element_type3A_37 = arith.extf %convert_element_type3A_36 : vector<10000x128xbf16> to vector<10000x128xf32>
    %sub3A_38 = arith.subf %max3A_32, %convert_element_type3A_37 : vector<10000x128xf32>
    %convert_element_type3A_39 = arith.truncf %sub3A_38 : vector<10000x128xf32> to vector<10000x128xbf16>
    %convert_element_type3A_40 = arith.truncf %get3A_35 : vector<128x128xf32> to vector<128x128xbf16>
    %convert_element_type3A_41 = arith.extf %convert_element_type3A_40 : vector<128x128xbf16> to vector<128x128xf32>
    %sub3A_42 = arith.subf %get3A_35, %convert_element_type3A_41 : vector<128x128xf32>
    %convert_element_type3A_43 = arith.truncf %sub3A_42 : vector<128x128xf32> to vector<128x128xbf16>
    %dot_general3A_44 = arith.constant dense<0.000000e+00> : vector<10000x128xf32>
    %dot_general3A_45 = tpu.matmul %convert_element_type3A_39, %convert_element_type3A_40, %dot_general3A_44 {dimension_numbers = #tpu.dot_dimension_numbers<[1], [0], [0], [1], [0, 0, 1, 1], [], []>, transpose_lhs_hint = false} : vector<10000x128xbf16>, vector<128x128xbf16>, vector<10000x128xf32> -> vector<10000x128xf32>
    %swap3A_46 = arith.constant 0 : index
    %swap3A_47 = arith.constant 0 : index
    %swap3A_48 = vector.load %arg11[%swap3A_46, %swap3A_47] : memref<10000x128xf32, #tpu.memory_space<vmem>>, vector<10000x128xf32>
    tpu.vector_store %arg11[%swap3A_46, %swap3A_47], %dot_general3A_45 {strides = array<i32>} : memref<10000x128xf32, #tpu.memory_space<vmem>>, vector<10000x128xf32>,
    %dot_general3A_49 = arith.constant dense<0.000000e+00> : vector<10000x128xf32>
    %dot_general3A_50 = tpu.matmul %convert_element_type3A_36, %convert_element_type3A_43, %dot_general3A_49 {dimension_numbers = #tpu.dot_dimension_numbers<[1], [0], [0], [1], [0, 0, 1, 1], [], []>, transpose_lhs_hint = false} : vector<10000x128xbf16>, vector<128x128xbf16>, vector<10000x128xf32> -> vector<10000x128xf32>
    %get3A_51 = arith.constant 0 : index
    %get3A_52 = arith.constant 0 : index
    %get3A_53 = vector.load %arg11[%get3A_51, %get3A_52] : memref<10000x128xf32, #tpu.memory_space<vmem>>, vector<10000x128xf32>
    %add3A_54 = arith.addf %dot_general3A_50, %get3A_53 : vector<10000x128xf32>
    %dot_general3A_55 = arith.constant dense<0.000000e+00> : vector<10000x128xf32>
    %dot_general3A_56 = tpu.matmul %convert_element_type3A_36, %convert_element_type3A_40, %dot_general3A_55 {dimension_numbers = #tpu.dot_dimension_numbers<[1], [0], [0], [1], [0, 0, 1, 1], [], []>, transpose_lhs_hint = false} : vector<10000x128xbf16>, vector<128x128xbf16>, vector<10000x128xf32> -> vector<10000x128xf32>
    %add3A_57 = arith.addf %add3A_54, %dot_general3A_56 : vector<10000x128xf32>
    %get3A_58 = arith.constant 0 : index
    %get3A_59 = arith.constant 0 : index
    %get3A_60 = vector.load %arg5[%get3A_58, %get3A_59] : memref<1x128xf32, #tpu.memory_space<vmem>>, vector<1x128xf32>
    %add3A_61 = vector.broadcast %get3A_60 : vector<1x128xf32> to vector<10000x128xf32>
    %add3A_62 = arith.addf %add3A_57, %add3A_61 : vector<10000x128xf32>
    %max3A_63 = arith.constant 0.000000e+00 : f32
    %max3A_64 = vector.broadcast %max3A_63 : f32 to vector<10000x128xf32>
    %max3A_65 = arith.maximumf %add3A_62, %max3A_64 : vector<10000x128xf32>
    %reduce_sum3A = arith.constant dense<0.000000e+00> : vector<128xf32>
    %reduce_sum3A_66 = vector.multi_reduction <add>, %max3A_65, %reduce_sum3A [0] : vector<10000x128xf32> to vector<128xf32>
    %broadcast_in_dim3A = vector.shape_cast %reduce_sum3A_66 : vector<128xf32> to vector<1x128xf32>
    %div3A = arith.constant 1.000000e+04 : f32
    %div3A_67 = vector.broadcast %div3A : f32 to vector<1x128xf32>
    %div3A_68 = arith.divf %broadcast_in_dim3A, %div3A_67 : vector<1x128xf32>
    %sub3A_69 = vector.broadcast %div3A_68 : vector<1x128xf32> to vector<10000x128xf32>
    %sub3A_70 = arith.subf %max3A_65, %sub3A_69 : vector<10000x128xf32>
    %mul3A = arith.mulf %sub3A_70, %sub3A_70 : vector<10000x128xf32>
    %reduce_sum3A_71 = arith.constant dense<0.000000e+00> : vector<128xf32>
    %reduce_sum3A_72 = vector.multi_reduction <add>, %mul3A, %reduce_sum3A_71 [0] : vector<10000x128xf32> to vector<128xf32>
    %broadcast_in_dim3A_73 = vector.shape_cast %reduce_sum3A_72 : vector<128xf32> to vector<1x128xf32>
    %div3A_74 = arith.constant 1.000000e+04 : f32
    %div3A_75 = vector.broadcast %div3A_74 : f32 to vector<1x128xf32>
    %div3A_76 = arith.divf %broadcast_in_dim3A_73, %div3A_75 : vector<1x128xf32>
    %add3A_77 = arith.constant 9.99999974E-6 : f32
    %add3A_78 = vector.broadcast %add3A_77 : f32 to vector<1x128xf32>
    %add3A_79 = arith.addf %div3A_76, %add3A_78 : vector<1x128xf32>
    %rsqrt3A = math.rsqrt %add3A_79 : vector<1x128xf32>
    %mul3A_80 = vector.broadcast %rsqrt3A : vector<1x128xf32> to vector<10000x128xf32>
    %mul3A_81 = arith.mulf %sub3A_70, %mul3A_80 : vector<10000x128xf32>
    %get3A_82 = arith.constant 0 : index
    %get3A_83 = arith.constant 0 : index
    %get3A_84 = vector.load %arg6[%get3A_82, %get3A_83] : memref<1x128xf32, #tpu.memory_space<vmem>>, vector<1x128xf32>
    %mul3A_85 = vector.broadcast %get3A_84 : vector<1x128xf32> to vector<10000x128xf32>
    %mul3A_86 = arith.mulf %mul3A_81, %mul3A_85 : vector<10000x128xf32>
    %get3A_87 = arith.constant 0 : index
    %get3A_88 = arith.constant 0 : index
    %get3A_89 = vector.load %arg7[%get3A_87, %get3A_88] : memref<1x128xf32, #tpu.memory_space<vmem>>, vector<1x128xf32>
    %add3A_90 = vector.broadcast %get3A_89 : vector<1x128xf32> to vector<10000x128xf32>
    %add3A_91 = arith.addf %mul3A_86, %add3A_90 : vector<10000x128xf32>
    %swap3A_92 = arith.constant 0 : index
    %swap3A_93 = arith.constant 0 : index
    %swap3A_94 = vector.load %arg9[%swap3A_92, %swap3A_93] : memref<10000x128xf32, #tpu.memory_space<vmem>>, vector<10000x128xf32>
    tpu.vector_store %arg9[%swap3A_92, %swap3A_93], %add3A_91 {strides = array<i32>} : memref<10000x128xf32, #tpu.memory_space<vmem>>, vector<10000x128xf32>,
    %get3A_95 = arith.constant 0 : index
    %get3A_96 = arith.constant 0 : index
    %get3A_97 = vector.load %arg8[%get3A_95, %get3A_96] : memref<4x128xf32, #tpu.memory_space<vmem>>, vector<1x128xf32>
    %add3A_98 = vector.broadcast %get3A_97 : vector<1x128xf32> to vector<10000x128xf32>
    %add3A_99 = arith.addf %add3A_91, %add3A_98 : vector<10000x128xf32>
    %max3A_100 = arith.constant 0.000000e+00 : f32
    %max3A_101 = vector.broadcast %max3A_100 : f32 to vector<10000x128xf32>
    %max3A_102 = arith.maximumf %add3A_99, %max3A_101 : vector<10000x128xf32>
    %broadcast_in_dim3A_103 = vector.shape_cast %max3A_102 : vector<10000x128xf32> to vector<1x10000x128xf32>
    %swap3A_104 = arith.constant 0 : index
    %swap3A_105 = arith.constant 0 : index
    %swap3A_106 = arith.constant 0 : index
    %swap3A_107 = vector.load %arg10[%swap3A_104, %swap3A_105, %swap3A_106] : memref<4x10000x128xf32, #tpu.memory_space<vmem>>, vector<1x10000x128xf32>
    tpu.vector_store %arg10[%swap3A_104, %swap3A_105, %swap3A_106], %broadcast_in_dim3A_103 {strides = array<i32>} : memref<4x10000x128xf32, #tpu.memory_space<vmem>>, vector<1x10000x128xf32>,
    %get3A_108 = arith.constant 1 : index
    %get3A_109 = arith.constant 0 : index
    %get3A_110 = vector.load %arg8[%get3A_108, %get3A_109] : memref<4x128xf32, #tpu.memory_space<vmem>>, vector<1x128xf32>
    %add3A_111 = vector.broadcast %get3A_110 : vector<1x128xf32> to vector<10000x128xf32>
    %add3A_112 = arith.addf %add3A_91, %add3A_111 : vector<10000x128xf32>
    %max3A_113 = arith.constant 0.000000e+00 : f32
    %max3A_114 = vector.broadcast %max3A_113 : f32 to vector<10000x128xf32>
    %max3A_115 = arith.maximumf %add3A_112, %max3A_114 : vector<10000x128xf32>
    %broadcast_in_dim3A_116 = vector.shape_cast %max3A_115 : vector<10000x128xf32> to vector<1x10000x128xf32>
    %swap3A_117 = arith.constant 1 : index
    %swap3A_118 = arith.constant 0 : index
    %swap3A_119 = arith.constant 0 : index
    %swap3A_120 = vector.load %arg10[%swap3A_117, %swap3A_118, %swap3A_119] : memref<4x10000x128xf32, #tpu.memory_space<vmem>>, vector<1x10000x128xf32>
    tpu.vector_store %arg10[%swap3A_117, %swap3A_118, %swap3A_119], %broadcast_in_dim3A_116 {strides = array<i32>} : memref<4x10000x128xf32, #tpu.memory_space<vmem>>, vector<1x10000x128xf32>,
    %get3A_121 = arith.constant 2 : index
    %get3A_122 = arith.constant 0 : index
    %get3A_123 = vector.load %arg8[%get3A_121, %get3A_122] : memref<4x128xf32, #tpu.memory_space<vmem>>, vector<1x128xf32>
    %add3A_124 = vector.broadcast %get3A_123 : vector<1x128xf32> to vector<10000x128xf32>
    %add3A_125 = arith.addf %add3A_91, %add3A_124 : vector<10000x128xf32>
    %max3A_126 = arith.constant 0.000000e+00 : f32
    %max3A_127 = vector.broadcast %max3A_126 : f32 to vector<10000x128xf32>
    %max3A_128 = arith.maximumf %add3A_125, %max3A_127 : vector<10000x128xf32>
    %broadcast_in_dim3A_129 = vector.shape_cast %max3A_128 : vector<10000x128xf32> to vector<1x10000x128xf32>
    %swap3A_130 = arith.constant 2 : index
    %swap3A_131 = arith.constant 0 : index
    %swap3A_132 = arith.constant 0 : index
    %swap3A_133 = vector.load %arg10[%swap3A_130, %swap3A_131, %swap3A_132] : memref<4x10000x128xf32, #tpu.memory_space<vmem>>, vector<1x10000x128xf32>
    tpu.vector_store %arg10[%swap3A_130, %swap3A_131, %swap3A_132], %broadcast_in_dim3A_129 {strides = array<i32>} : memref<4x10000x128xf32, #tpu.memory_space<vmem>>, vector<1x10000x128xf32>,
    %get3A_134 = arith.constant 3 : index
    %get3A_135 = arith.constant 0 : index
    %get3A_136 = vector.load %arg8[%get3A_134, %get3A_135] : memref<4x128xf32, #tpu.memory_space<vmem>>, vector<1x128xf32>
    %add3A_137 = vector.broadcast %get3A_136 : vector<1x128xf32> to vector<10000x128xf32>
    %add3A_138 = arith.addf %add3A_91, %add3A_137 : vector<10000x128xf32>
    %max3A_139 = arith.constant 0.000000e+00 : f32
    %max3A_140 = vector.broadcast %max3A_139 : f32 to vector<10000x128xf32>
    %max3A_141 = arith.maximumf %add3A_138, %max3A_140 : vector<10000x128xf32>
    %broadcast_in_dim3A_142 = vector.shape_cast %max3A_141 : vector<10000x128xf32> to vector<1x10000x128xf32>
    %swap3A_143 = arith.constant 3 : index
    %swap3A_144 = arith.constant 0 : index
    %swap3A_145 = arith.constant 0 : index
    %swap3A_146 = vector.load %arg10[%swap3A_143, %swap3A_144, %swap3A_145] : memref<4x10000x128xf32, #tpu.memory_space<vmem>>, vector<1x10000x128xf32>
    tpu.vector_store %arg10[%swap3A_143, %swap3A_144, %swap3A_145], %broadcast_in_dim3A_142 {strides = array<i32>} : memref<4x10000x128xf32, #tpu.memory_space<vmem>>, vector<1x10000x128xf32>,
    return
  }
}

module attributes {stable_mosaic.version = 14 : i64} {
  func.func @_mlp_last_body(%arg0: memref<10000x128xf32, #tpu.memory_space<vmem>>, %arg1: memref<10000x128xf32, #tpu.memory_space<vmem>>, %arg2: memref<128x128xf32, #tpu.memory_space<vmem>>, %arg3: memref<1x128xf32, #tpu.memory_space<vmem>>, %arg4: memref<128x128xf32, #tpu.memory_space<vmem>>, %arg5: memref<1x128xf32, #tpu.memory_space<vmem>>, %arg6: memref<1x128xf32, #tpu.memory_space<vmem>>, %arg7: memref<1x128xf32, #tpu.memory_space<vmem>>, %arg8: memref<4x128xf32, #tpu.memory_space<vmem>>, %arg9: memref<10000x128xf32, #tpu.memory_space<vmem>>, %arg10: memref<10000x128xf32, #tpu.memory_space<vmem>>) attributes {dimension_semantics = [], scalar_prefetch = 0 : i64, scratch_operands = 1 : i64, tpu.core_type = #tpu.core_type<tc>} {
    %get3A = arith.constant 0 : index
    %get3A_0 = arith.constant 0 : index
    %get3A_1 = vector.load %arg0[%get3A, %get3A_0] : memref<10000x128xf32, #tpu.memory_space<vmem>>, vector<10000x128xf32>
    %get3A_2 = arith.constant 0 : index
    %get3A_3 = arith.constant 0 : index
    %get3A_4 = vector.load %arg1[%get3A_2, %get3A_3] : memref<10000x128xf32, #tpu.memory_space<vmem>>, vector<10000x128xf32>
    %add3A = arith.addf %get3A_1, %get3A_4 : vector<10000x128xf32>
    %get3A_5 = arith.constant 0 : index
    %get3A_6 = arith.constant 0 : index
    %get3A_7 = vector.load %arg2[%get3A_5, %get3A_6] : memref<128x128xf32, #tpu.memory_space<vmem>>, vector<128x128xf32>
    %convert_element_type3A = arith.truncf %add3A : vector<10000x128xf32> to vector<10000x128xbf16>
    %convert_element_type3A_8 = arith.extf %convert_element_type3A : vector<10000x128xbf16> to vector<10000x128xf32>
    %sub3A = arith.subf %add3A, %convert_element_type3A_8 : vector<10000x128xf32>
    %convert_element_type3A_9 = arith.truncf %sub3A : vector<10000x128xf32> to vector<10000x128xbf16>
    %convert_element_type3A_10 = arith.truncf %get3A_7 : vector<128x128xf32> to vector<128x128xbf16>
    %convert_element_type3A_11 = arith.extf %convert_element_type3A_10 : vector<128x128xbf16> to vector<128x128xf32>
    %sub3A_12 = arith.subf %get3A_7, %convert_element_type3A_11 : vector<128x128xf32>
    %convert_element_type3A_13 = arith.truncf %sub3A_12 : vector<128x128xf32> to vector<128x128xbf16>
    %dot_general3A = arith.constant dense<0.000000e+00> : vector<10000x128xf32>
    %dot_general3A_14 = tpu.matmul %convert_element_type3A_9, %convert_element_type3A_10, %dot_general3A {dimension_numbers = #tpu.dot_dimension_numbers<[1], [0], [0], [1], [0, 0, 1, 1], [], []>, transpose_lhs_hint = false} : vector<10000x128xbf16>, vector<128x128xbf16>, vector<10000x128xf32> -> vector<10000x128xf32>
    %swap3A = arith.constant 0 : index
    %swap3A_15 = arith.constant 0 : index
    %swap3A_16 = vector.load %arg10[%swap3A, %swap3A_15] : memref<10000x128xf32, #tpu.memory_space<vmem>>, vector<10000x128xf32>
    tpu.vector_store %arg10[%swap3A, %swap3A_15], %dot_general3A_14 {strides = array<i32>} : memref<10000x128xf32, #tpu.memory_space<vmem>>, vector<10000x128xf32>,
    %dot_general3A_17 = arith.constant dense<0.000000e+00> : vector<10000x128xf32>
    %dot_general3A_18 = tpu.matmul %convert_element_type3A, %convert_element_type3A_13, %dot_general3A_17 {dimension_numbers = #tpu.dot_dimension_numbers<[1], [0], [0], [1], [0, 0, 1, 1], [], []>, transpose_lhs_hint = false} : vector<10000x128xbf16>, vector<128x128xbf16>, vector<10000x128xf32> -> vector<10000x128xf32>
    %get3A_19 = arith.constant 0 : index
    %get3A_20 = arith.constant 0 : index
    %get3A_21 = vector.load %arg10[%get3A_19, %get3A_20] : memref<10000x128xf32, #tpu.memory_space<vmem>>, vector<10000x128xf32>
    %add3A_22 = arith.addf %dot_general3A_18, %get3A_21 : vector<10000x128xf32>
    %dot_general3A_23 = arith.constant dense<0.000000e+00> : vector<10000x128xf32>
    %dot_general3A_24 = tpu.matmul %convert_element_type3A, %convert_element_type3A_10, %dot_general3A_23 {dimension_numbers = #tpu.dot_dimension_numbers<[1], [0], [0], [1], [0, 0, 1, 1], [], []>, transpose_lhs_hint = false} : vector<10000x128xbf16>, vector<128x128xbf16>, vector<10000x128xf32> -> vector<10000x128xf32>
    %add3A_25 = arith.addf %add3A_22, %dot_general3A_24 : vector<10000x128xf32>
    %get3A_26 = arith.constant 0 : index
    %get3A_27 = arith.constant 0 : index
    %get3A_28 = vector.load %arg3[%get3A_26, %get3A_27] : memref<1x128xf32, #tpu.memory_space<vmem>>, vector<1x128xf32>
    %add3A_29 = vector.broadcast %get3A_28 : vector<1x128xf32> to vector<10000x128xf32>
    %add3A_30 = arith.addf %add3A_25, %add3A_29 : vector<10000x128xf32>
    %max3A = arith.constant 0.000000e+00 : f32
    %max3A_31 = vector.broadcast %max3A : f32 to vector<10000x128xf32>
    %max3A_32 = arith.maximumf %add3A_30, %max3A_31 : vector<10000x128xf32>
    %get3A_33 = arith.constant 0 : index
    %get3A_34 = arith.constant 0 : index
    %get3A_35 = vector.load %arg4[%get3A_33, %get3A_34] : memref<128x128xf32, #tpu.memory_space<vmem>>, vector<128x128xf32>
    %convert_element_type3A_36 = arith.truncf %max3A_32 : vector<10000x128xf32> to vector<10000x128xbf16>
    %convert_element_type3A_37 = arith.extf %convert_element_type3A_36 : vector<10000x128xbf16> to vector<10000x128xf32>
    %sub3A_38 = arith.subf %max3A_32, %convert_element_type3A_37 : vector<10000x128xf32>
    %convert_element_type3A_39 = arith.truncf %sub3A_38 : vector<10000x128xf32> to vector<10000x128xbf16>
    %convert_element_type3A_40 = arith.truncf %get3A_35 : vector<128x128xf32> to vector<128x128xbf16>
    %convert_element_type3A_41 = arith.extf %convert_element_type3A_40 : vector<128x128xbf16> to vector<128x128xf32>
    %sub3A_42 = arith.subf %get3A_35, %convert_element_type3A_41 : vector<128x128xf32>
    %convert_element_type3A_43 = arith.truncf %sub3A_42 : vector<128x128xf32> to vector<128x128xbf16>
    %dot_general3A_44 = arith.constant dense<0.000000e+00> : vector<10000x128xf32>
    %dot_general3A_45 = tpu.matmul %convert_element_type3A_39, %convert_element_type3A_40, %dot_general3A_44 {dimension_numbers = #tpu.dot_dimension_numbers<[1], [0], [0], [1], [0, 0, 1, 1], [], []>, transpose_lhs_hint = false} : vector<10000x128xbf16>, vector<128x128xbf16>, vector<10000x128xf32> -> vector<10000x128xf32>
    %swap3A_46 = arith.constant 0 : index
    %swap3A_47 = arith.constant 0 : index
    %swap3A_48 = vector.load %arg10[%swap3A_46, %swap3A_47] : memref<10000x128xf32, #tpu.memory_space<vmem>>, vector<10000x128xf32>
    tpu.vector_store %arg10[%swap3A_46, %swap3A_47], %dot_general3A_45 {strides = array<i32>} : memref<10000x128xf32, #tpu.memory_space<vmem>>, vector<10000x128xf32>,
    %dot_general3A_49 = arith.constant dense<0.000000e+00> : vector<10000x128xf32>
    %dot_general3A_50 = tpu.matmul %convert_element_type3A_36, %convert_element_type3A_43, %dot_general3A_49 {dimension_numbers = #tpu.dot_dimension_numbers<[1], [0], [0], [1], [0, 0, 1, 1], [], []>, transpose_lhs_hint = false} : vector<10000x128xbf16>, vector<128x128xbf16>, vector<10000x128xf32> -> vector<10000x128xf32>
    %get3A_51 = arith.constant 0 : index
    %get3A_52 = arith.constant 0 : index
    %get3A_53 = vector.load %arg10[%get3A_51, %get3A_52] : memref<10000x128xf32, #tpu.memory_space<vmem>>, vector<10000x128xf32>
    %add3A_54 = arith.addf %dot_general3A_50, %get3A_53 : vector<10000x128xf32>
    %dot_general3A_55 = arith.constant dense<0.000000e+00> : vector<10000x128xf32>
    %dot_general3A_56 = tpu.matmul %convert_element_type3A_36, %convert_element_type3A_40, %dot_general3A_55 {dimension_numbers = #tpu.dot_dimension_numbers<[1], [0], [0], [1], [0, 0, 1, 1], [], []>, transpose_lhs_hint = false} : vector<10000x128xbf16>, vector<128x128xbf16>, vector<10000x128xf32> -> vector<10000x128xf32>
    %add3A_57 = arith.addf %add3A_54, %dot_general3A_56 : vector<10000x128xf32>
    %get3A_58 = arith.constant 0 : index
    %get3A_59 = arith.constant 0 : index
    %get3A_60 = vector.load %arg5[%get3A_58, %get3A_59] : memref<1x128xf32, #tpu.memory_space<vmem>>, vector<1x128xf32>
    %add3A_61 = vector.broadcast %get3A_60 : vector<1x128xf32> to vector<10000x128xf32>
    %add3A_62 = arith.addf %add3A_57, %add3A_61 : vector<10000x128xf32>
    %max3A_63 = arith.constant 0.000000e+00 : f32
    %max3A_64 = vector.broadcast %max3A_63 : f32 to vector<10000x128xf32>
    %max3A_65 = arith.maximumf %add3A_62, %max3A_64 : vector<10000x128xf32>
    %reduce_sum3A = arith.constant dense<0.000000e+00> : vector<128xf32>
    %reduce_sum3A_66 = vector.multi_reduction <add>, %max3A_65, %reduce_sum3A [0] : vector<10000x128xf32> to vector<128xf32>
    %broadcast_in_dim3A = vector.shape_cast %reduce_sum3A_66 : vector<128xf32> to vector<1x128xf32>
    %div3A = arith.constant 1.000000e+04 : f32
    %div3A_67 = vector.broadcast %div3A : f32 to vector<1x128xf32>
    %div3A_68 = arith.divf %broadcast_in_dim3A, %div3A_67 : vector<1x128xf32>
    %sub3A_69 = vector.broadcast %div3A_68 : vector<1x128xf32> to vector<10000x128xf32>
    %sub3A_70 = arith.subf %max3A_65, %sub3A_69 : vector<10000x128xf32>
    %mul3A = arith.mulf %sub3A_70, %sub3A_70 : vector<10000x128xf32>
    %reduce_sum3A_71 = arith.constant dense<0.000000e+00> : vector<128xf32>
    %reduce_sum3A_72 = vector.multi_reduction <add>, %mul3A, %reduce_sum3A_71 [0] : vector<10000x128xf32> to vector<128xf32>
    %broadcast_in_dim3A_73 = vector.shape_cast %reduce_sum3A_72 : vector<128xf32> to vector<1x128xf32>
    %div3A_74 = arith.constant 1.000000e+04 : f32
    %div3A_75 = vector.broadcast %div3A_74 : f32 to vector<1x128xf32>
    %div3A_76 = arith.divf %broadcast_in_dim3A_73, %div3A_75 : vector<1x128xf32>
    %add3A_77 = arith.constant 9.99999974E-6 : f32
    %add3A_78 = vector.broadcast %add3A_77 : f32 to vector<1x128xf32>
    %add3A_79 = arith.addf %div3A_76, %add3A_78 : vector<1x128xf32>
    %rsqrt3A = math.rsqrt %add3A_79 : vector<1x128xf32>
    %mul3A_80 = vector.broadcast %rsqrt3A : vector<1x128xf32> to vector<10000x128xf32>
    %mul3A_81 = arith.mulf %sub3A_70, %mul3A_80 : vector<10000x128xf32>
    %get3A_82 = arith.constant 0 : index
    %get3A_83 = arith.constant 0 : index
    %get3A_84 = vector.load %arg6[%get3A_82, %get3A_83] : memref<1x128xf32, #tpu.memory_space<vmem>>, vector<1x128xf32>
    %mul3A_85 = vector.broadcast %get3A_84 : vector<1x128xf32> to vector<10000x128xf32>
    %mul3A_86 = arith.mulf %mul3A_81, %mul3A_85 : vector<10000x128xf32>
    %get3A_87 = arith.constant 0 : index
    %get3A_88 = arith.constant 0 : index
    %get3A_89 = vector.load %arg7[%get3A_87, %get3A_88] : memref<1x128xf32, #tpu.memory_space<vmem>>, vector<1x128xf32>
    %add3A_90 = vector.broadcast %get3A_89 : vector<1x128xf32> to vector<10000x128xf32>
    %add3A_91 = arith.addf %mul3A_86, %add3A_90 : vector<10000x128xf32>
    %swap3A_92 = arith.constant 0 : index
    %swap3A_93 = arith.constant 0 : index
    %swap3A_94 = vector.load %arg9[%swap3A_92, %swap3A_93] : memref<10000x128xf32, #tpu.memory_space<vmem>>, vector<10000x128xf32>
    tpu.vector_store %arg9[%swap3A_92, %swap3A_93], %add3A_91 {strides = array<i32>} : memref<10000x128xf32, #tpu.memory_space<vmem>>, vector<10000x128xf32>,
    return
  }
}

module attributes {stable_mosaic.version = 14 : i64} {
  func.func @_readout_body(%arg0: memref<10000x128xf32, #tpu.memory_space<vmem>>, %arg1: memref<10000x1xi32, #tpu.memory_space<vmem>>, %arg2: memref<256x128xf32, #tpu.memory_space<vmem>>, %arg3: memref<1x128xf32, #tpu.memory_space<vmem>>, %arg4: memref<128x10xf32, #tpu.memory_space<vmem>>, %arg5: memref<1x10xf32, #tpu.memory_space<vmem>>, %arg6: memref<64x10xf32, #tpu.memory_space<vmem>>, %arg7: memref<64x128xf32, #tpu.memory_space<vmem>>, %arg8: memref<64x128xf32, #tpu.memory_space<vmem>>, %arg9: memref<64x10xf32, #tpu.memory_space<vmem>>) attributes {dimension_semantics = [], scalar_prefetch = 0 : i64, scratch_operands = 3 : i64, tpu.core_type = #tpu.core_type<tc>} {
    %get3A = arith.constant 0 : index
    %get3A_0 = arith.constant 0 : index
    %get3A_1 = vector.load %arg0[%get3A, %get3A_0] : memref<10000x128xf32, #tpu.memory_space<vmem>>, vector<10000x128xf32>
    %get3A_2 = arith.constant 0 : index
    %get3A_3 = arith.constant 0 : index
    %get3A_4 = vector.load %arg1[%get3A_2, %get3A_3] : memref<10000x1xi32, #tpu.memory_space<vmem>>, vector<10000x1xi32>
    %iota3A = tpu.iota {dimensions = array<i32: 1>} : vector<10000x64xi32>
    %eq3A = vector.broadcast %get3A_4 : vector<10000x1xi32> to vector<10000x64xi32>
    %eq3A_5 = arith.cmpi eq, %eq3A, %iota3A : vector<10000x64xi32>
    %convert_element_type3A = arith.extui %eq3A_5 : vector<10000x64xi1> to vector<10000x64xi32>
    %convert_element_type3A_6 = arith.sitofp %convert_element_type3A : vector<10000x64xi32> to vector<10000x64xf32>
    %convert_element_type3A_7 = arith.truncf %convert_element_type3A_6 : vector<10000x64xf32> to vector<10000x64xbf16>
    %convert_element_type3A_8 = arith.extf %convert_element_type3A_7 : vector<10000x64xbf16> to vector<10000x64xf32>
    %sub3A = arith.subf %convert_element_type3A_6, %convert_element_type3A_8 : vector<10000x64xf32>
    %convert_element_type3A_9 = arith.truncf %sub3A : vector<10000x64xf32> to vector<10000x64xbf16>
    %convert_element_type3A_10 = arith.truncf %get3A_1 : vector<10000x128xf32> to vector<10000x128xbf16>
    %convert_element_type3A_11 = arith.extf %convert_element_type3A_10 : vector<10000x128xbf16> to vector<10000x128xf32>
    %sub3A_12 = arith.subf %get3A_1, %convert_element_type3A_11 : vector<10000x128xf32>
    %convert_element_type3A_13 = arith.truncf %sub3A_12 : vector<10000x128xf32> to vector<10000x128xbf16>
    %dot_general3A = arith.constant dense<0.000000e+00> : vector<64x128xf32>
    %dot_general3A_14 = tpu.matmul %convert_element_type3A_9, %convert_element_type3A_10, %dot_general3A {dimension_numbers = #tpu.dot_dimension_numbers<[0], [0], [1], [1], [0, 1, 1, 1], [], []>, transpose_lhs_hint = false} : vector<10000x64xbf16>, vector<10000x128xbf16>, vector<64x128xf32> -> vector<64x128xf32>
    %swap3A = arith.constant 0 : index
    %swap3A_15 = arith.constant 0 : index
    %swap3A_16 = vector.load %arg8[%swap3A, %swap3A_15] : memref<64x128xf32, #tpu.memory_space<vmem>>, vector<64x128xf32>
    tpu.vector_store %arg8[%swap3A, %swap3A_15], %dot_general3A_14 {strides = array<i32>} : memref<64x128xf32, #tpu.memory_space<vmem>>, vector<64x128xf32>,
    %dot_general3A_17 = arith.constant dense<0.000000e+00> : vector<64x128xf32>
    %dot_general3A_18 = tpu.matmul %convert_element_type3A_7, %convert_element_type3A_13, %dot_general3A_17 {dimension_numbers = #tpu.dot_dimension_numbers<[0], [0], [1], [1], [0, 1, 1, 1], [], []>, transpose_lhs_hint = false} : vector<10000x64xbf16>, vector<10000x128xbf16>, vector<64x128xf32> -> vector<64x128xf32>
    %get3A_19 = arith.constant 0 : index
    %get3A_20 = arith.constant 0 : index
    %get3A_21 = vector.load %arg8[%get3A_19, %get3A_20] : memref<64x128xf32, #tpu.memory_space<vmem>>, vector<64x128xf32>
    %add3A = arith.addf %dot_general3A_18, %get3A_21 : vector<64x128xf32>
    %dot_general3A_22 = arith.constant dense<0.000000e+00> : vector<64x128xf32>
    %dot_general3A_23 = tpu.matmul %convert_element_type3A_7, %convert_element_type3A_10, %dot_general3A_22 {dimension_numbers = #tpu.dot_dimension_numbers<[0], [0], [1], [1], [0, 1, 1, 1], [], []>, transpose_lhs_hint = false} : vector<10000x64xbf16>, vector<10000x128xbf16>, vector<64x128xf32> -> vector<64x128xf32>
    %add3A_24 = arith.addf %add3A, %dot_general3A_23 : vector<64x128xf32>
    %broadcast_in_dim3A = arith.constant 1.000000e+00 : f32
    %broadcast_in_dim3A_25 = vector.broadcast %broadcast_in_dim3A : f32 to vector<10000x1xf32>
    %dot_general3A_26 = arith.constant dense<0.000000e+00> : vector<64x1xf32>
    %dot_general3A_27 = tpu.matmul %convert_element_type3A_6, %broadcast_in_dim3A_25, %dot_general3A_26 {dimension_numbers = #tpu.dot_dimension_numbers<[0], [0], [1], [1], [0, 1, 1, 1], [], []>, transpose_lhs_hint = false} : vector<10000x64xf32>, vector<10000x1xf32>, vector<64x1xf32> -> vector<64x1xf32>
    %max3A = arith.constant 1.000000e+00 : f32
    %max3A_28 = vector.broadcast %max3A : f32 to vector<64x1xf32>
    %max3A_29 = arith.maximumf %dot_general3A_27, %max3A_28 : vector<64x1xf32>
    %div3A = vector.broadcast %max3A_29 : vector<64x1xf32> to vector<64x128xf32>
    %div3A_30 = arith.divf %add3A_24, %div3A : vector<64x128xf32>
    %scan3A = arith.constant 0 : i32
    %scan3A_31 = arith.constant 64 : i32
    %scan3A_32 = arith.addi %scan3A, %scan3A_31 : i32
    %scan3A_33 = arith.constant 1 : i32
    scf.for %scan3A_109 = %scan3A to %scan3A_32 step %scan3A_33  : i32 {
      %eq3A_110 = vector.broadcast %scan3A_109 : i32 to vector<10000x1xi32>
      %eq3A_111 = arith.cmpi eq, %get3A_4, %eq3A_110 : vector<10000x1xi32>
      %jit3A_112 = arith.constant -3.000000e+38 : f32
      %broadcast_in_dim3A_113 = vector.shape_cast %eq3A_111 : vector<10000x1xi1> to vector<10000x1xi1>
      %broadcast_in_dim3A_114 = vector.broadcast %broadcast_in_dim3A_113 : vector<10000x1xi1> to vector<10000x128xi1>
      %broadcast_in_dim3A_115 = vector.broadcast %jit3A_112 : f32 to vector<10000x128xf32>
      %select_n3A_116 = arith.select %broadcast_in_dim3A_114, %get3A_1, %broadcast_in_dim3A_115 : vector<10000x128xi1>, vector<10000x128xf32>
      %reduce_max3A = arith.constant dense<0xFF800000> : vector<128xf32>
      %reduce_max3A_117 = vector.multi_reduction <maximumf>, %select_n3A_116, %reduce_max3A [0] : vector<10000x128xf32> to vector<128xf32>
      %broadcast_in_dim3A_118 = vector.shape_cast %reduce_max3A_117 : vector<128xf32> to vector<1x128xf32>
      %swap3A_119 = arith.index_cast %scan3A_109 : i32 to index
      %swap3A_120 = arith.constant 0 : index
      %swap3A_121 = vector.load %arg7[%swap3A_119, %swap3A_120] : memref<64x128xf32, #tpu.memory_space<vmem>>, vector<1x128xf32>
      tpu.vector_store %arg7[%swap3A_119, %swap3A_120], %broadcast_in_dim3A_118 {strides = array<i32>} : memref<64x128xf32, #tpu.memory_space<vmem>>, vector<1x128xf32>,
    }
    %scan3A_34 = arith.constant 64 : i32
    %gt3A = arith.constant 0.000000e+00 : f32
    %gt3A_35 = vector.broadcast %gt3A : f32 to vector<64x1xf32>
    %gt3A_36 = arith.cmpf ogt, %dot_general3A_27, %gt3A_35 : vector<64x1xf32>
    %get3A_37 = arith.constant 0 : index
    %get3A_38 = arith.constant 0 : index
    %get3A_39 = vector.load %arg7[%get3A_37, %get3A_38] : memref<64x128xf32, #tpu.memory_space<vmem>>, vector<64x128xf32>
    %jit3A = arith.constant 0.000000e+00 : f32
    %broadcast_in_dim3A_40 = vector.shape_cast %gt3A_36 : vector<64x1xi1> to vector<64x1xi1>
    %broadcast_in_dim3A_41 = vector.broadcast %broadcast_in_dim3A_40 : vector<64x1xi1> to vector<64x128xi1>
    %broadcast_in_dim3A_42 = vector.broadcast %jit3A : f32 to vector<64x128xf32>
    %select_n3A = arith.select %broadcast_in_dim3A_41, %get3A_39, %broadcast_in_dim3A_42 : vector<64x128xi1>, vector<64x128xf32>
    %concatenate3A = tpu.concatenate %div3A_30, %select_n3A in 1 : vector<64x128xf32>, vector<64x128xf32> -> vector<64x256xf32>
    %get3A_43 = arith.constant 0 : index
    %get3A_44 = arith.constant 0 : index
    %get3A_45 = vector.load %arg2[%get3A_43, %get3A_44] : memref<256x128xf32, #tpu.memory_space<vmem>>, vector<256x128xf32>
    %convert_element_type3A_46 = arith.truncf %concatenate3A : vector<64x256xf32> to vector<64x256xbf16>
    %convert_element_type3A_47 = arith.extf %convert_element_type3A_46 : vector<64x256xbf16> to vector<64x256xf32>
    %sub3A_48 = arith.subf %concatenate3A, %convert_element_type3A_47 : vector<64x256xf32>
    %convert_element_type3A_49 = arith.truncf %sub3A_48 : vector<64x256xf32> to vector<64x256xbf16>
    %convert_element_type3A_50 = arith.truncf %get3A_45 : vector<256x128xf32> to vector<256x128xbf16>
    %convert_element_type3A_51 = arith.extf %convert_element_type3A_50 : vector<256x128xbf16> to vector<256x128xf32>
    %sub3A_52 = arith.subf %get3A_45, %convert_element_type3A_51 : vector<256x128xf32>
    %convert_element_type3A_53 = arith.truncf %sub3A_52 : vector<256x128xf32> to vector<256x128xbf16>
    %dot_general3A_54 = arith.constant dense<0.000000e+00> : vector<64x128xf32>
    %dot_general3A_55 = tpu.matmul %convert_element_type3A_49, %convert_element_type3A_50, %dot_general3A_54 {dimension_numbers = #tpu.dot_dimension_numbers<[1], [0], [0], [1], [0, 0, 1, 1], [], []>, transpose_lhs_hint = false} : vector<64x256xbf16>, vector<256x128xbf16>, vector<64x128xf32> -> vector<64x128xf32>
    %swap3A_56 = arith.constant 0 : index
    %swap3A_57 = arith.constant 0 : index
    %swap3A_58 = vector.load %arg8[%swap3A_56, %swap3A_57] : memref<64x128xf32, #tpu.memory_space<vmem>>, vector<64x128xf32>
    tpu.vector_store %arg8[%swap3A_56, %swap3A_57], %dot_general3A_55 {strides = array<i32>} : memref<64x128xf32, #tpu.memory_space<vmem>>, vector<64x128xf32>,
    %dot_general3A_59 = arith.constant dense<0.000000e+00> : vector<64x128xf32>
    %dot_general3A_60 = tpu.matmul %convert_element_type3A_46, %convert_element_type3A_53, %dot_general3A_59 {dimension_numbers = #tpu.dot_dimension_numbers<[1], [0], [0], [1], [0, 0, 1, 1], [], []>, transpose_lhs_hint = false} : vector<64x256xbf16>, vector<256x128xbf16>, vector<64x128xf32> -> vector<64x128xf32>
    %get3A_61 = arith.constant 0 : index
    %get3A_62 = arith.constant 0 : index
    %get3A_63 = vector.load %arg8[%get3A_61, %get3A_62] : memref<64x128xf32, #tpu.memory_space<vmem>>, vector<64x128xf32>
    %add3A_64 = arith.addf %dot_general3A_60, %get3A_63 : vector<64x128xf32>
    %dot_general3A_65 = arith.constant dense<0.000000e+00> : vector<64x128xf32>
    %dot_general3A_66 = tpu.matmul %convert_element_type3A_46, %convert_element_type3A_50, %dot_general3A_65 {dimension_numbers = #tpu.dot_dimension_numbers<[1], [0], [0], [1], [0, 0, 1, 1], [], []>, transpose_lhs_hint = false} : vector<64x256xbf16>, vector<256x128xbf16>, vector<64x128xf32> -> vector<64x128xf32>
    %add3A_67 = arith.addf %add3A_64, %dot_general3A_66 : vector<64x128xf32>
    %get3A_68 = arith.constant 0 : index
    %get3A_69 = arith.constant 0 : index
    %get3A_70 = vector.load %arg3[%get3A_68, %get3A_69] : memref<1x128xf32, #tpu.memory_space<vmem>>, vector<1x128xf32>
    %add3A_71 = vector.broadcast %get3A_70 : vector<1x128xf32> to vector<64x128xf32>
    %add3A_72 = arith.addf %add3A_67, %add3A_71 : vector<64x128xf32>
    %max3A_73 = arith.constant 0.000000e+00 : f32
    %max3A_74 = vector.broadcast %max3A_73 : f32 to vector<64x128xf32>
    %max3A_75 = arith.maximumf %add3A_72, %max3A_74 : vector<64x128xf32>
    %get3A_76 = arith.constant 0 : index
    %get3A_77 = arith.constant 0 : index
    %get3A_78 = vector.load %arg4[%get3A_76, %get3A_77] : memref<128x10xf32, #tpu.memory_space<vmem>>, vector<128x10xf32>
    %convert_element_type3A_79 = arith.truncf %max3A_75 : vector<64x128xf32> to vector<64x128xbf16>
    %convert_element_type3A_80 = arith.extf %convert_element_type3A_79 : vector<64x128xbf16> to vector<64x128xf32>
    %sub3A_81 = arith.subf %max3A_75, %convert_element_type3A_80 : vector<64x128xf32>
    %convert_element_type3A_82 = arith.truncf %sub3A_81 : vector<64x128xf32> to vector<64x128xbf16>
    %convert_element_type3A_83 = arith.truncf %get3A_78 : vector<128x10xf32> to vector<128x10xbf16>
    %convert_element_type3A_84 = arith.extf %convert_element_type3A_83 : vector<128x10xbf16> to vector<128x10xf32>
    %sub3A_85 = arith.subf %get3A_78, %convert_element_type3A_84 : vector<128x10xf32>
    %convert_element_type3A_86 = arith.truncf %sub3A_85 : vector<128x10xf32> to vector<128x10xbf16>
    %dot_general3A_87 = arith.constant dense<0.000000e+00> : vector<64x10xf32>
    %dot_general3A_88 = tpu.matmul %convert_element_type3A_82, %convert_element_type3A_83, %dot_general3A_87 {dimension_numbers = #tpu.dot_dimension_numbers<[1], [0], [0], [1], [0, 0, 1, 1], [], []>, transpose_lhs_hint = false} : vector<64x128xbf16>, vector<128x10xbf16>, vector<64x10xf32> -> vector<64x10xf32>
    %swap3A_89 = arith.constant 0 : index
    %swap3A_90 = arith.constant 0 : index
    %swap3A_91 = vector.load %arg9[%swap3A_89, %swap3A_90] : memref<64x10xf32, #tpu.memory_space<vmem>>, vector<64x10xf32>
    tpu.vector_store %arg9[%swap3A_89, %swap3A_90], %dot_general3A_88 {strides = array<i32>} : memref<64x10xf32, #tpu.memory_space<vmem>>, vector<64x10xf32>,
    %dot_general3A_92 = arith.constant dense<0.000000e+00> : vector<64x10xf32>
    %dot_general3A_93 = tpu.matmul %convert_element_type3A_79, %convert_element_type3A_86, %dot_general3A_92 {dimension_numbers = #tpu.dot_dimension_numbers<[1], [0], [0], [1], [0, 0, 1, 1], [], []>, transpose_lhs_hint = false} : vector<64x128xbf16>, vector<128x10xbf16>, vector<64x10xf32> -> vector<64x10xf32>
    %get3A_94 = arith.constant 0 : index
    %get3A_95 = arith.constant 0 : index
    %get3A_96 = vector.load %arg9[%get3A_94, %get3A_95] : memref<64x10xf32, #tpu.memory_space<vmem>>, vector<64x10xf32>
    %add3A_97 = arith.addf %dot_general3A_93, %get3A_96 : vector<64x10xf32>
    %dot_general3A_98 = arith.constant dense<0.000000e+00> : vector<64x10xf32>
    %dot_general3A_99 = tpu.matmul %convert_element_type3A_79, %convert_element_type3A_83, %dot_general3A_98 {dimension_numbers = #tpu.dot_dimension_numbers<[1], [0], [0], [1], [0, 0, 1, 1], [], []>, transpose_lhs_hint = false} : vector<64x128xbf16>, vector<128x10xbf16>, vector<64x10xf32> -> vector<64x10xf32>
    %add3A_100 = arith.addf %add3A_97, %dot_general3A_99 : vector<64x10xf32>
    %get3A_101 = arith.constant 0 : index
    %get3A_102 = arith.constant 0 : index
    %get3A_103 = vector.load %arg5[%get3A_101, %get3A_102] : memref<1x10xf32, #tpu.memory_space<vmem>>, vector<1x10xf32>
    %add3A_104 = vector.broadcast %get3A_103 : vector<1x10xf32> to vector<64x10xf32>
    %add3A_105 = arith.addf %add3A_100, %add3A_104 : vector<64x10xf32>
    %swap3A_106 = arith.constant 0 : index
    %swap3A_107 = arith.constant 0 : index
    %swap3A_108 = vector.load %arg6[%swap3A_106, %swap3A_107] : memref<64x10xf32, #tpu.memory_space<vmem>>, vector<64x10xf32>
    tpu.vector_store %arg6[%swap3A_106, %swap3A_107], %add3A_105 {strides = array<i32>} : memref<64x10xf32, #tpu.memory_space<vmem>>, vector<64x10xf32>,
    return
  }
}

</mosaic_0001>

<sc_bundles>
// kernel: kernel.10.cloned.1.call-start
scs
__scs_entry_jumppad:
0x0: {  	(pc) =	sbr.rel $0x88, $3  }
0x1: {  	(tag) =	ssettag $0x0;
	lr =	simm.s32 $0x1  }
0x2: {  	[smem:$0x3F90] =	sst lr;
	_ =	strace $0xD0000000  }
0x3: {  	_ = 	snop  }
0x4: {  	_ = 	snop  }
0x5: {  	_ = 	snop  }
0x6: {  	_ = 	snop  }
0x7: {  	_ = 	snop  }
__scs_overlays_trampoline_lowered:
0x8: {  	[smem:$0x3F9F] =	sst s0  }
0x9: {  	[smem:$0x3FA0] =	sst s1  }
0xa: {  	[smem:$0x3FA1] =	sst s2  }
0xb: {  	[smem:$0x3FA2] =	sst s3  }
0xc: {  	[smem:$0x3FA3] =	sst s4  }
0xd: {  	[smem:$0x3FA4] =	sst s5  }
0xe: {  	[smem:$0x3FA5] =	sst s6  }
0xf: {  	[smem:$0x3FA6] =	sst s7  }
0x10: {  	[smem:$0x3FA7] =	sst s8  }
0x11: {  	[smem:$0x3FA8] =	sst s9;
	s0 =	simm.s32 @!p0 $0x0  }
0x12: {  	s1 =	sld [smem:$0x3F8E];
	s0 =	simm.s32 @p0 $0x1  }
0x13: {  	[smem:$0x3FA9] =	sst s0;
	s0 =	simm.s32 @!p1 $0x0  }
0x14: {  	s2 =	sld [smem:$0x3F8D];
	s0 =	simm.s32 @p1 $0x1  }
0x15: {  	[smem:$0x3FAA] =	sst s0;
	s0 =	simm.s32 @!p2 $0x0  }
0x16: {  	s3 =	sld [smem:$0x3FDB];
	s0 =	simm.s32 @p2 $0x1  }
0x17: {  	s4 =	simm.s32 $0x1BF5;
	[smem:$0x3FAC] =	sst s0  }
0x18: {  	s0 =	sld [smem:$0x3F8F];
	_ =	swait.ge [sflag:s4], $0x0  }
0x19: {  	s7 =	sld [smem:$0x3F90]  }
0x1a: {  	s8 =	sadd.s32 $0xFFFFE003, lr  }
0x1b: {  	s9 =	sadd.s32 $0xFFFFFEF7, lr;
	s5 =	simm.s32 $0xFFFFFFFF;
	p2 =	slt.u32 s8, $0xFFFFF086  }
0x1c: {  	p1 =	slt.u32 s9, $0xF7A;
	s5 =	simm.s32 @!p2 $0x0  }
0x1d: {  	s5 =	simm.s32 @p1 $0x1;
	p0 =	seq.s32 s7, s2  }
0x1e: {  	s7 =	smul.u32 @!p0 $0xF7A, s2;
	p2 =	seq.s32 @!p0 s5, $0x0  }
0x1f: {  	s9 =	smul.u32 $0xF7A, s1;
	s8 =	simm.s32 @!p0 $0x1BF5;
	p2 =	por !p2, p0  }
0x20: {  	[sflag:s8] =	ssyncset.s32 @!p0 $0xFFFFF086;
	s6 =	sadd.s32 @!p0 s3, s7;
	s7 =	simm.s32 @!p0 $0x108  }
0x21: {  	s3 =	sadd.s32 s3, s9;
	s6 =	sadd.s32 @!p0 $0x88, s6;
	s7 =	simm.s32 @p2 $0x1082  }
0x22: {  	[simem:s7], [sflag:s8] =	dma.local @!p0 [hbm:s6], $0xF7A  }
0x23: {  	s9 =	sor.u32 $0xD0000000, s2;
	s6 =	simm.s32 $0x108;
	_ =	swait.ge @!p0 [sflag:s8], $0x0  }
0x24: {  	s3 =	sadd.s32 $0x88, s3;
	s6 =	simm.s32 @!p1 $0x1082;
	[sflag:s4] =	ssyncset.s32 $0xFFFFF086  }
0x25: {  	[simem:s6], [sflag:s4] =	dma.local [hbm:s3], $0xF7A  }
0x26: {  	[smem:$0x3F90] =	sst s1;
	(tag) =	ssettag s2;
	_ =	strace s9  }
0x27: {  	s1 =	sld [smem:$0x3FA0]  }
0x28: {  	s2 =	sld [smem:$0x3FA1]  }
0x29: {  	s4 =	sld [smem:$0x3FA3]  }
0x2a: {  	p0 =	seq.s32 s5, $0x0;
	s5 =	sld [smem:$0x3FA4]  }
0x2b: {  	s6 =	sld [smem:$0x3FA5]  }
0x2c: {  	s7 =	sld [smem:$0x3FA6]  }
0x2d: {  	s3 =	simm.s32 $0x108;
	s8 =	sld [smem:$0x3FA7]  }
0x2e: {  	s3 =	simm.s32 @!p0 $0x1082;
	s9 =	sld [smem:$0x3FA8]  }
0x2f: {  	lr =	sadd.s32 s0, s3;
	s0 =	sld [smem:$0x3F9F]  }
0x30: {  	s3 =	sld [smem:$0x3FA2]  }
0x31: {  	[smem:$0x3FAB] =	sst s10  }
0x32: {  	s10 =	sld [smem:$0x3FA9];
	_ =	sdelay $0x3  }
0x33: {  	p0 =	seq.s32 s10, $0x1;
	s10 =	sld [smem:$0x3FAB];
	_ =	sdelay $0x3  }
0x34: {  	[smem:$0x3FAB] =	sst s10  }
0x35: {  	s10 =	sld [smem:$0x3FAA];
	_ =	sdelay $0x3  }
0x36: {  	p1 =	seq.s32 s10, $0x1;
	s10 =	sld [smem:$0x3FAB];
	_ =	sdelay $0x3  }
0x37: {  	[smem:$0x3FAB] =	sst s10  }
0x38: {  	s10 =	sld [smem:$0x3FAC]  }
0x39: {  	_ = 	snop;
	(pc) =	sbr.ind lr, $3  }
0x3a: {  	_ = 	snop  }
0x3b: {  	_ = 	snop  }
0x3c: {  	p2 =	seq.s32 s10, $0x1;
	s10 =	sld [smem:$0x3FAB]  }
0x3d: {  	_ =	shalt  }
0x3e: {  	_ =	shalt  }
0x3f: {  	_ =	shalt  }
0x40: {  	_ =	shalt  }
0x41: {  	_ =	shalt  }
0x42: {  	_ =	shalt  }
0x43: {  	_ =	shalt  }
0x44: {  	_ =	shalt  }
0x45: {  	_ =	shalt  }
0x46: {  	_ =	shalt  }
0x47: {  	_ =	shalt  }
0x48: {  	_ =	shalt  }
0x49: {  	_ =	shalt  }
0x4a: {  	_ =	shalt  }
0x4b: {  	_ =	shalt  }
0x4c: {  	_ =	shalt  }
0x4d: {  	_ =	shalt  }
0x4e: {  	_ =	shalt  }
0x4f: {  	_ =	shalt  }
0x50: {  	_ =	shalt  }
0x51: {  	_ =	shalt  }
0x52: {  	_ =	shalt  }
0x53: {  	_ =	shalt  }
0x54: {  	_ =	shalt  }
0x55: {  	_ =	shalt  }
0x56: {  	_ =	shalt  }
0x57: {  	_ =	shalt  }
0x58: {  	_ =	shalt  }
0x59: {  	_ =	shalt  }
0x5a: {  	_ =	shalt  }
0x5b: {  	_ =	shalt  }
0x5c: {  	_ =	shalt  }
0x5d: {  	_ =	shalt  }
0x5e: {  	_ =	shalt  }
0x5f: {  	_ =	shalt  }
0x60: {  	_ =	shalt  }
0x61: {  	_ =	shalt  }
0x62: {  	_ =	shalt  }
0x63: {  	_ =	shalt  }
0x64: {  	_ =	shalt  }
0x65: {  	_ =	shalt  }
0x66: {  	_ =	shalt  }
0x67: {  	_ =	shalt  }
0x68: {  	_ =	shalt  }
0x69: {  	_ =	shalt  }
0x6a: {  	_ =	shalt  }
0x6b: {  	_ =	shalt  }
0x6c: {  	_ =	shalt  }
0x6d: {  	_ =	shalt  }
0x6e: {  	_ =	shalt  }
0x6f: {  	_ =	shalt  }
0x70: {  	_ =	shalt  }
0x71: {  	_ =	shalt  }
0x72: {  	_ =	shalt  }
0x73: {  	_ =	shalt  }
0x74: {  	_ =	shalt  }
0x75: {  	_ =	shalt  }
0x76: {  	_ =	shalt  }
0x77: {  	_ =	shalt  }
0x78: {  	_ =	shalt  }
0x79: {  	_ =	shalt  }
0x7a: {  	_ =	shalt  }
0x7b: {  	_ =	shalt  }
0x7c: {  	_ =	shalt  }
0x7d: {  	_ =	shalt  }
0x7e: {  	_ =	shalt  }
0x7f: {  	_ =	shalt  }
0x80: {  	_ =	shalt  }
0x81: {  	_ =	shalt  }
0x82: {  	_ =	shalt  }
0x83: {  	_ =	shalt  }
0x84: {  	_ =	shalt  }
0x85: {  	_ =	shalt  }
0x86: {  	_ =	shalt  }
0x87: {  	_ =	shalt  }
.Lfunc_end0:
.L_simem_size_0:
called_computation_lowered:
.L_overlay_start_0:
0x88: {  	s2 =	sld [smem:$0x3FD9]  }
0x89: {  	s3 =	sld [smem:$0x3FFE];
	_ =	sdelay $0x1  }
0x8a: {  	s1 =	srdreg.scid  }
0x8b: {  	s0 =	sand.u32 $0x1, s1  }
0x8c: {  	s16 =	sshll.u32 s0, $0xA;
	s2 =	sadd.s32 s3, s2  }
0x8d: {  	s2 =	sadd.s32 s2, s16  }
0x8e: {  	[smem:$0x3FB7] =	sst s2  }
0x8f: {  	_ = 	snop  }
0x90: {  	(tm) =	ssettm $0x1  }
0x91: {  	s17 =	sld [smem:$0x3FFB];
	_ =	sdelay $0x3  }
0x92: {  	_ =	strace s17  }
0x93: {  	s2 =	sld [smem:$0x3FFC];
	_ =	sdelay $0x3  }
0x94: {  	_ =	strace s2  }
0x95: {  	s2 =	sld [smem:$0x3FFD];
	_ =	sdelay $0x3  }
0x96: {  	_ =	strace s2  }
0x97: {  	_ =	strace $0x8FFFFFFF  }
0x98: {  	s18 =	sld [smem:$0x3FDB];
	_ =	sdelay $0x1  }
0x99: {  	s19 =	simm.s32 $_scs_section_size  }
0x9a: {  	s4 =	simm.s32 $_size__tile_overlayer_lowered;
	s5 =	simm.s32 $_tile_overlayer_lowered  }
0x9b: {  	s22 =	simm.s32 $0x1BFF;
	s21 =	sshll.u32 s5, $0x1;
	s2 =	sadd.s32 s19, s18  }
0x9c: {  	s6 =	simm.s32 $0x0;
	s20 =	sshll.u32 s4, $0x1;
	s4 =	sadd.s32 s21, s2  }
0x9d: {  	[timem:s6], [sflag:s22] =	dma.local [hbm:s4], s20  }
0x9e: {  	_ =	swait.ge [sflag:s22], s20  }
0x9f: {  	s3 =	ssub.s32 $0x0, s20;
	[sflag:s22] =	ssyncset.done $0x0  }
0xa0: {  	[sflag:s22] =	ssyncadd.s32 s3;
	_ =	sdelay $0x1  }
0xa1: {  	s23 =	simm.s32 $0x1B8B  }
0xa2: {  	_ =	swait.ge [sflag:s23], $0x1  }
0xa3: {  	[sflag:s23] =	ssyncset.done $0x0  }
0xa4: {  	s25 =	simm.s32 $0x1B8E;
	s24 =	sld [smem:$0x3FFE];
	[sflag:s23] =	ssyncadd.s32 $0xFFFFFFFF  }
0xa5: {  	s26 =	simm.s32 $execute0_lowered;
	[smem:$0x3FD2] =	sst s25  }
0xa6: {  	s4 =	sshll.u32 s26, $0x1;
	_ =	strace $0x80000046;
	[dreg:$0x1] =	wrdreg $0xFFFFFFFF  }
0xa7: {  	s28 =	simm.s32 $_size_execute0_lowered;
	s2 =	sadd.s32 s2, s4;
	[dreg:$0x0] =	wrdreg $0x0  }
0xa8: {  	s4 =	sshll.u32 s28, $0x1;
	[dreg:$0x2] =	wrdreg s2  }
0xa9: {  	[dreg:$0x3] =	wrdreg s4  }
0xaa: {  	[dreg:$0x4] =	wrdreg $0xC0  }
0xab: {  	_ =	task [dreg:s6], $0x5FFFF  }
0xac: {  	[dreg:$0x1] =	wrdreg $0xFFFFFFFF  }
0xad: {  	[dreg:$0x0] =	wrdreg $0x60  }
0xae: {  	[dreg:$0x2] =	wrdreg s24  }
0xaf: {  	[dreg:$0x3] =	wrdreg $0x29000  }
0xb0: {  	[dreg:$0x4] =	wrdreg $0x9  }
0xb1: {  	_ =	task.clear_ibuf [dreg:s6], $0x5FFFF;
	_ =	strace $0x90000046  }
0xb2: {  	s29 =	simm.s32 $0x9;
	_ =	strace $0x80000048  }
0xb3: {  	_ =	swait.ge [sflag:s29], $0x1  }
0xb4: {  	[sflag:s29] =	ssyncadd.s32 $0xFFFFFFFF  }
0xb5: {  	_ =	strace $0x90000048  }
0xb6: {  	_ =	sfence  }
0xb7: {  	s30 =	sld [smem:$0x0];
	_ =	sdelay $0x2  }
0xb8: {  	s31 =	sshll.u32 s1, $0xD;
	s1 =	sshrl.u32 s1, $0x2  }
0xb9: {  	s3 =	sand.u32 $0x4000, s31;
	s1 =	sadd.s32 s1, s30  }
0xba: {  	s0 =	sor.u32 s3, s0;
	s1 =	sshll.u32 s1, $0x11  }
0xbb: {  	s0 =	sor.u32 s1, s0  }
0xbc: {  	s0 =	sadd.s32 $0x8F2B, s0  }
0xbd: {  	[sflag:s0] =	ssyncadd.remote.s32 $0x1  }
0xbe: {  	_ =	sfence.sel $0xFFFF  }
0xbf: {  	[dreg:$0x0] =	wrdreg $0xFFFFFFFF;
	(pc) =	sbr.abs _section_cstart, $3  }
0xc0: {  	[dreg:$0x1] =	wrdreg $0xFFFFFFFF  }
0xc1: {  	_ =	task.clear_ibuf [dreg:s6], $0x2FFFF;
	_ =	strace $0x9FFFFFFF  }
0xc2: {  	(tm) =	ssettm $0x7FFFFFFF  }
0xc3: {  	_ =	shalt  }
tec
execute0_lowered:
.L_overlay_start_1:
0x0: {  	(tag) =	ssettag $0x1  }
0x1: {  	s6 =	rddreg [dreg:$0x0]  }
0x2: {  	s2 =	rddreg [dreg:$0x1]  }
0x3: {  	s0 =	srdreg.scid;
	s1 =	rddreg [dreg:$0x2]  }
0x4: {  	s3 =	simm.s32 $0x0;
	s13 =	simm.s32 $0x80;
	s7 =	sand.u32 $0x1, s0  }
0x5: {  	s14 =	simm.s32 $0x50;
	s0 =	stileid.u32;
	s4 =	smul.u32 $0x27100, s7  }
0x6: {  	s15 =	simm.s32 $0x100;
	s16 =	simm.s32 $0x1;
	s5 =	smul.u32 $0x2710, s0  }
0x7: {  	s17 =	simm.s32 $0x0;
	[smem:$0x7FF] =	sst s3;
	s8 =	smul.u32 $0x140000, s7  }
0x8: {  	s9 =	smul.u32 $0x14000, s0;
	_ =	strace $0x80000047;
	s7 =	ssub.s32 $0x2, s7  }
0x9: {  	s29 =	smul.u32 $0x50000, s0;
	s31 =	sshll.u32 s0, $0x6;
	s30 =	sshrl.u32 s7, $0x1  }
0xa: {  	s5 =	sadd.s32 s5, s4;
	s4 =	sadd.s32 $0x16C00, s6;
	s8 =	sadd.s32 s9, s8  }
0xb: {  	s9 =	sshrl.u32 s29, $0x2;
	s11 =	ssub.s32 s7, s30;
	s5 =	sshrl.u32 s5, $0x3  }
0xc: {  	s8 =	sshrl.u32 s8, $0x3;
	s12 =	sadd.s32 s9, s2;
	s10 =	sadd.s32 s5, s6  }
0xd: {  	s5 =	sadd.s32 $0xB3000, s6;
	s8 =	sadd.s32 s8, s6;
	s6 =	sor.u32 $0x1C02, s31  }
0xe: {  	s7 =	sadd.s32 $0xB5800, s8;
	s8 =	smax.u32 s11, $0x1;
	s9 =	sadd.s32 $0x3000, s10  }
0xf: {  	s10 =	sadd.s32 $0xCE00, s10;
	s11 =	sshrl.u32 s12, $0x3;
	s12 =	simm.s32 $0x2  }
.LBB2_1:
0x10: {  	[spmem:s11], [sflag:s6] =	dma.local [hbm:s5], $0x2800  }
0x11: {  	_ =	swait.ge [sflag:s12], $0x2800  }
0x12: {  	[sflag:s12] =	ssyncset.done $0x0  }
0x13: {  	[sflag:s12] =	ssyncadd.s32 $0xFFFFD800  }
0x14: {  	s18 =	sadd.s32 $0x0, s10;
	[bflag:$0x0] =	sbarrier.arrive $0xFFFF  }
0x15: {  	[tilespmem:s3], [sflag:$0x2] =	stream.linear.gather [hbm4b:s18+s3], $0x50, $0x38;
	[tilespmem:$0x16900] =	vst v63  }
0x16: {  	_ =	swait.ge [sflag:s12], $0x50  }
0x17: {  	[sflag:s12] =	ssyncset.done $0x0  }
0x18: {  	s31 =	sadd.s32 $0x0, s9;
	[sflag:s12] =	ssyncadd.s32 $0xFFFFFFB0  }
0x19: {  	[tilespmem:s13], [sflag:$0x2] =	stream.linear.gather [hbm4b:s31+s3], $0x50, $0x38;
	[tilespmem:$0x16900] =	vst v63  }
0x1a: {  	_ =	swait.ge [sflag:s12], $0x50  }
0x1b: {  	[sflag:s12] =	ssyncset.done $0x0  }
0x1c: {  	[sflag:s12] =	ssyncadd.s32 $0xFFFFFFB0  }
0x1d: {  	[tilespmem:s15], [sflag:$0x1] =	stream.indirect.gather [hbm4b:s4+s14], $0x80, s3, s14, $0xb8;
	[tilespmem:$0x16900] =	vst v63  }
0x1e: {  	_ =	swait.ge [sflag:s16], $0x2800  }
0x1f: {  	[sflag:s16] =	ssyncset.done $0x0  }
0x20: {  	[sflag:s16] =	ssyncadd.s32 $0xFFFFD800  }
0x21: {  	[spmem:s2] =	stream.indirect.scatter.add.f32 [tilespmem:s15], [sflag:$0x2], $0x80, s13, s14, $0xb8;
	[tilespmem:$0x16900] =	vst v63  }
0x22: {  	_ =	swait.ge [sflag:s12], $0x2800  }
0x23: {  	s19 =	simm.s32 $0x14;
	s18 =	simm.s32 $0xA;
	[sflag:s12] =	ssyncset.done $0x0  }
.LBB2_2:
0x24: {  	s20 =	sadd.s32 s18, s10  }
0x25: {  	[sflag:s12] =	ssyncadd.s32 $0xFFFFD800;
	s21 =	smov.u32 s19;
	s22 =	sadd.s32 $0xA, s19  }
0x26: {  	[tilespmem:s3], [sflag:$0x2] =	stream.linear.gather [hbm4b:s20+s3], $0x50, $0x38;
	[tilespmem:$0x16900] =	vst v63  }
0x27: {  	p0 =	sne.s32 s19, $0x4D8;
	_ =	swait.ge [sflag:s12], $0x50  }
0x28: {  	[sflag:s12] =	ssyncset.done $0x0  }
0x29: {  	s19 =	sadd.s32 s18, s9;
	s18 =	smov.u32 s21;
	[sflag:s12] =	ssyncadd.s32 $0xFFFFFFB0  }
0x2a: {  	[tilespmem:s13], [sflag:$0x2] =	stream.linear.gather [hbm4b:s19+s3], $0x50, $0x38;
	[tilespmem:$0x16900] =	vst v63  }
0x2b: {  	_ =	swait.ge [sflag:s12], $0x50  }
0x2c: {  	[sflag:s12] =	ssyncset.done $0x0  }
0x2d: {  	[sflag:s12] =	ssyncadd.s32 $0xFFFFFFB0  }
0x2e: {  	[tilespmem:s15], [sflag:$0x1] =	stream.indirect.gather [hbm4b:s4+s14], $0x80, s3, s14, $0xb8;
	[tilespmem:$0x16900] =	vst v63  }
0x2f: {  	_ =	swait.ge [sflag:s16], $0x2800  }
.Ltmp0:
0x30: {  	[sflag:s16] =	ssyncset.done $0x0;
	(pc) =	sbr.rel @p0 .LBB2_2-.Ltmp0, $4  }
0x31: {  	[sflag:s16] =	ssyncadd.s32 $0xFFFFD800  }
0x32: {  	[spmem:s2] =	stream.indirect.scatter.add.f32 [tilespmem:s15], [sflag:$0x2], $0x80, s13, s14, $0xb8;
	[tilespmem:$0x16900] =	vst v63  }
0x33: {  	_ =	swait.ge [sflag:s12], $0x2800  }
0x34: {  	s19 =	smov.u32 s22;
	[sflag:s12] =	ssyncset.done $0x0  }
0x35: {  	s19 =	sadd.s32 s18, s10;
	[sflag:s12] =	ssyncadd.s32 $0xFFFFD800  }
0x36: {  	[tilespmem:s3], [sflag:$0x2] =	stream.linear.gather [hbm4b:s19+s3], $0x50, $0x38;
	[tilespmem:$0x16900] =	vst v63  }
0x37: {  	_ =	swait.ge [sflag:s12], $0x50  }
0x38: {  	[sflag:s12] =	ssyncset.done $0x0  }
0x39: {  	s31 =	sadd.s32 s18, s9;
	[sflag:s12] =	ssyncadd.s32 $0xFFFFFFB0  }
0x3a: {  	[tilespmem:s13], [sflag:$0x2] =	stream.linear.gather [hbm4b:s31+s3], $0x50, $0x38;
	[tilespmem:$0x16900] =	vst v63  }
0x3b: {  	_ =	swait.ge [sflag:s12], $0x50  }
0x3c: {  	[sflag:s12] =	ssyncset.done $0x0  }
0x3d: {  	[sflag:s12] =	ssyncadd.s32 $0xFFFFFFB0  }
0x3e: {  	[tilespmem:s15], [sflag:$0x1] =	stream.indirect.gather [hbm4b:s4+s14], $0x80, s3, s14, $0xb8;
	[tilespmem:$0x16900] =	vst v63  }
0x3f: {  	_ =	swait.ge [sflag:s16], $0x2800  }
0x40: {  	[sflag:s16] =	ssyncset.done $0x0  }
0x41: {  	[sflag:s16] =	ssyncadd.s32 $0xFFFFD800  }
0x42: {  	[spmem:s2] =	stream.indirect.scatter.add.f32 [tilespmem:s15], [sflag:$0x2], $0x80, s13, s14, $0xb8;
	[tilespmem:$0x16900] =	vst v63  }
0x43: {  	_ =	swait.ge [sflag:s12], $0x2800  }
0x44: {  	s17 =	sadd.s32 $0x1, s17;
	[sflag:s12] =	ssyncset.done $0x0  }
0x45: {  	p0 =	sne.s32 s17, s8;
	[sflag:s12] =	ssyncadd.s32 $0xFFFFD800  }
.Ltmp1:
0x46: {  	[bflag:$0x0] =	sbarrier.arrive $0xFFFF;
	(pc) =	sbr.rel @p0 .LBB2_1-.Ltmp1, $4  }
0x47: {  	[hbm:s7], [sflag:s6] =	dma.local [spmem:s11], $0x2800  }
0x48: {  	_ =	swait.ge [sflag:s12], $0x2800  }
0x49: {  	[sflag:s12] =	ssyncset.done $0x0  }
0x4a: {  	[sflag:s12] =	ssyncadd.s32 $0xFFFFD800  }
0x4b: {  	_ =	sfence.sel $0x180000  }
0x4c: {  	[bflag:$0x0] =	sbarrier.arrive $0xFFFF  }
0x4d: {  	p0 =	sne.s32 s0, $0x0;
	_ =	strace $0x90000047  }
0x4e: {  	s0 =	sadd.s32 @!p0 $0x100000, s1;
	[bflag:$0x2] =	sbarrier.arrive $0xFFFF  }
0x4f: {  	[sflag:s0] =	ssyncadd.tile.s32 @!p0 $0x1;
	_ =	shalt  }
.Lfunc_end2:
_tile_overlayer_lowered:
.L_overlay_start_2:
0x50: {  	(tag) =	ssettag $0x2  }
0x51: {  	s0 =	rddreg [dreg:$0x0];
	s2 =	stileid.u32  }
0x52: {  	s1 =	rddreg [dreg:$0x1];
	p0 =	sne.s32 s2, $0x0  }
0x53: {  	s3 =	rddreg [dreg:$0x2];
	[bflag:$0x3] =	sbarrier.arrive $0xFFFF;
	s2 =	simm.s32 @!p0 $0x1C02  }
0x54: {  	[timem:s3], [sflag:s2] =	dma.local @!p0 [hbm:s0], s1  }
0x55: {  	s0 =	simm.s32 @!p0 $0x2  }
0x56: {  	_ =	swait.ge @!p0 [sflag:s0], s1  }
0x57: {  	s1 =	ssub.s32 @!p0 $0x0, s1;
	[sflag:s0] =	ssyncset.done @!p0 $0x0  }
0x58: {  	[sflag:s0] =	ssyncadd.s32 @!p0 s1  }
0x59: {  	[bflag:$0x3] =	sbarrier.arrive $0xFFFF  }
0x5a: {  	_ =	shalt  }

// kernel: kernel.13.cloned.1.call-start
scs
__scs_entry_jumppad:
0x0: {  	(pc) =	sbr.rel $0x88, $3  }
0x1: {  	(tag) =	ssettag $0x0;
	lr =	simm.s32 $0x1  }
0x2: {  	[smem:$0x3F90] =	sst lr;
	_ =	strace $0xD0000000  }
0x3: {  	_ = 	snop  }
0x4: {  	_ = 	snop  }
0x5: {  	_ = 	snop  }
0x6: {  	_ = 	snop  }
0x7: {  	_ = 	snop  }
__scs_overlays_trampoline_lowered:
0x8: {  	[smem:$0x3F9F] =	sst s0  }
0x9: {  	[smem:$0x3FA0] =	sst s1  }
0xa: {  	[smem:$0x3FA1] =	sst s2  }
0xb: {  	[smem:$0x3FA2] =	sst s3  }
0xc: {  	[smem:$0x3FA3] =	sst s4  }
0xd: {  	[smem:$0x3FA4] =	sst s5  }
0xe: {  	[smem:$0x3FA5] =	sst s6  }
0xf: {  	[smem:$0x3FA6] =	sst s7  }
0x10: {  	[smem:$0x3FA7] =	sst s8  }
0x11: {  	[smem:$0x3FA8] =	sst s9;
	s0 =	simm.s32 @!p0 $0x0  }
0x12: {  	s1 =	sld [smem:$0x3F8E];
	s0 =	simm.s32 @p0 $0x1  }
0x13: {  	[smem:$0x3FA9] =	sst s0;
	s0 =	simm.s32 @!p1 $0x0  }
0x14: {  	s2 =	sld [smem:$0x3F8D];
	s0 =	simm.s32 @p1 $0x1  }
0x15: {  	[smem:$0x3FAA] =	sst s0;
	s0 =	simm.s32 @!p2 $0x0  }
0x16: {  	s3 =	sld [smem:$0x3FDB];
	s0 =	simm.s32 @p2 $0x1  }
0x17: {  	s4 =	simm.s32 $0x1BF5;
	[smem:$0x3FAC] =	sst s0  }
0x18: {  	s0 =	sld [smem:$0x3F8F];
	_ =	swait.ge [sflag:s4], $0x0  }
0x19: {  	s7 =	sld [smem:$0x3F90]  }
0x1a: {  	s8 =	sadd.s32 $0xFFFFE003, lr  }
0x1b: {  	s9 =	sadd.s32 $0xFFFFFEF7, lr;
	s5 =	simm.s32 $0xFFFFFFFF;
	p2 =	slt.u32 s8, $0xFFFFF086  }
0x1c: {  	p1 =	slt.u32 s9, $0xF7A;
	s5 =	simm.s32 @!p2 $0x0  }
0x1d: {  	s5 =	simm.s32 @p1 $0x1;
	p0 =	seq.s32 s7, s2  }
0x1e: {  	s7 =	smul.u32 @!p0 $0xF7A, s2;
	p2 =	seq.s32 @!p0 s5, $0x0  }
0x1f: {  	s9 =	smul.u32 $0xF7A, s1;
	s8 =	simm.s32 @!p0 $0x1BF5;
	p2 =	por !p2, p0  }
0x20: {  	[sflag:s8] =	ssyncset.s32 @!p0 $0xFFFFF086;
	s6 =	sadd.s32 @!p0 s3, s7;
	s7 =	simm.s32 @!p0 $0x108  }
0x21: {  	s3 =	sadd.s32 s3, s9;
	s6 =	sadd.s32 @!p0 $0x88, s6;
	s7 =	simm.s32 @p2 $0x1082  }
0x22: {  	[simem:s7], [sflag:s8] =	dma.local @!p0 [hbm:s6], $0xF7A  }
0x23: {  	s9 =	sor.u32 $0xD0000000, s2;
	s6 =	simm.s32 $0x108;
	_ =	swait.ge @!p0 [sflag:s8], $0x0  }
0x24: {  	s3 =	sadd.s32 $0x88, s3;
	s6 =	simm.s32 @!p1 $0x1082;
	[sflag:s4] =	ssyncset.s32 $0xFFFFF086  }
0x25: {  	[simem:s6], [sflag:s4] =	dma.local [hbm:s3], $0xF7A  }
0x26: {  	[smem:$0x3F90] =	sst s1;
	(tag) =	ssettag s2;
	_ =	strace s9  }
0x27: {  	s1 =	sld [smem:$0x3FA0]  }
0x28: {  	s2 =	sld [smem:$0x3FA1]  }
0x29: {  	s4 =	sld [smem:$0x3FA3]  }
0x2a: {  	p0 =	seq.s32 s5, $0x0;
	s5 =	sld [smem:$0x3FA4]  }
0x2b: {  	s6 =	sld [smem:$0x3FA5]  }
0x2c: {  	s7 =	sld [smem:$0x3FA6]  }
0x2d: {  	s3 =	simm.s32 $0x108;
	s8 =	sld [smem:$0x3FA7]  }
0x2e: {  	s3 =	simm.s32 @!p0 $0x1082;
	s9 =	sld [smem:$0x3FA8]  }
0x2f: {  	lr =	sadd.s32 s0, s3;
	s0 =	sld [smem:$0x3F9F]  }
0x30: {  	s3 =	sld [smem:$0x3FA2]  }
0x31: {  	[smem:$0x3FAB] =	sst s10  }
0x32: {  	s10 =	sld [smem:$0x3FA9];
	_ =	sdelay $0x3  }
0x33: {  	p0 =	seq.s32 s10, $0x1;
	s10 =	sld [smem:$0x3FAB];
	_ =	sdelay $0x3  }
0x34: {  	[smem:$0x3FAB] =	sst s10  }
0x35: {  	s10 =	sld [smem:$0x3FAA];
	_ =	sdelay $0x3  }
0x36: {  	p1 =	seq.s32 s10, $0x1;
	s10 =	sld [smem:$0x3FAB];
	_ =	sdelay $0x3  }
0x37: {  	[smem:$0x3FAB] =	sst s10  }
0x38: {  	s10 =	sld [smem:$0x3FAC]  }
0x39: {  	_ = 	snop;
	(pc) =	sbr.ind lr, $3  }
0x3a: {  	_ = 	snop  }
0x3b: {  	_ = 	snop  }
0x3c: {  	p2 =	seq.s32 s10, $0x1;
	s10 =	sld [smem:$0x3FAB]  }
0x3d: {  	_ =	shalt  }
0x3e: {  	_ =	shalt  }
0x3f: {  	_ =	shalt  }
0x40: {  	_ =	shalt  }
0x41: {  	_ =	shalt  }
0x42: {  	_ =	shalt  }
0x43: {  	_ =	shalt  }
0x44: {  	_ =	shalt  }
0x45: {  	_ =	shalt  }
0x46: {  	_ =	shalt  }
0x47: {  	_ =	shalt  }
0x48: {  	_ =	shalt  }
0x49: {  	_ =	shalt  }
0x4a: {  	_ =	shalt  }
0x4b: {  	_ =	shalt  }
0x4c: {  	_ =	shalt  }
0x4d: {  	_ =	shalt  }
0x4e: {  	_ =	shalt  }
0x4f: {  	_ =	shalt  }
0x50: {  	_ =	shalt  }
0x51: {  	_ =	shalt  }
0x52: {  	_ =	shalt  }
0x53: {  	_ =	shalt  }
0x54: {  	_ =	shalt  }
0x55: {  	_ =	shalt  }
0x56: {  	_ =	shalt  }
0x57: {  	_ =	shalt  }
0x58: {  	_ =	shalt  }
0x59: {  	_ =	shalt  }
0x5a: {  	_ =	shalt  }
0x5b: {  	_ =	shalt  }
0x5c: {  	_ =	shalt  }
0x5d: {  	_ =	shalt  }
0x5e: {  	_ =	shalt  }
0x5f: {  	_ =	shalt  }
0x60: {  	_ =	shalt  }
0x61: {  	_ =	shalt  }
0x62: {  	_ =	shalt  }
0x63: {  	_ =	shalt  }
0x64: {  	_ =	shalt  }
0x65: {  	_ =	shalt  }
0x66: {  	_ =	shalt  }
0x67: {  	_ =	shalt  }
0x68: {  	_ =	shalt  }
0x69: {  	_ =	shalt  }
0x6a: {  	_ =	shalt  }
0x6b: {  	_ =	shalt  }
0x6c: {  	_ =	shalt  }
0x6d: {  	_ =	shalt  }
0x6e: {  	_ =	shalt  }
0x6f: {  	_ =	shalt  }
0x70: {  	_ =	shalt  }
0x71: {  	_ =	shalt  }
0x72: {  	_ =	shalt  }
0x73: {  	_ =	shalt  }
0x74: {  	_ =	shalt  }
0x75: {  	_ =	shalt  }
0x76: {  	_ =	shalt  }
0x77: {  	_ =	shalt  }
0x78: {  	_ =	shalt  }
0x79: {  	_ =	shalt  }
0x7a: {  	_ =	shalt  }
0x7b: {  	_ =	shalt  }
0x7c: {  	_ =	shalt  }
0x7d: {  	_ =	shalt  }
0x7e: {  	_ =	shalt  }
0x7f: {  	_ =	shalt  }
0x80: {  	_ =	shalt  }
0x81: {  	_ =	shalt  }
0x82: {  	_ =	shalt  }
0x83: {  	_ =	shalt  }
0x84: {  	_ =	shalt  }
0x85: {  	_ =	shalt  }
0x86: {  	_ =	shalt  }
0x87: {  	_ =	shalt  }
.Lfunc_end0:
.L_simem_size_0:
called_computation.1_lowered:
.L_overlay_start_0:
0x88: {  	s2 =	sld [smem:$0x3FD9]  }
0x89: {  	s3 =	sld [smem:$0x3FFE];
	_ =	sdelay $0x1  }
0x8a: {  	s1 =	srdreg.scid  }
0x8b: {  	s0 =	sand.u32 $0x1, s1  }
0x8c: {  	s16 =	sshll.u32 s0, $0xA;
	s2 =	sadd.s32 s3, s2  }
0x8d: {  	s2 =	sadd.s32 s2, s16  }
0x8e: {  	[smem:$0x3FB7] =	sst s2  }
0x8f: {  	_ = 	snop  }
0x90: {  	(tm) =	ssettm $0x1  }
0x91: {  	s17 =	sld [smem:$0x3FFB];
	_ =	sdelay $0x3  }
0x92: {  	_ =	strace s17  }
0x93: {  	s2 =	sld [smem:$0x3FFC];
	_ =	sdelay $0x3  }
0x94: {  	_ =	strace s2  }
0x95: {  	s2 =	sld [smem:$0x3FFD];
	_ =	sdelay $0x3  }
0x96: {  	_ =	strace s2  }
0x97: {  	_ =	strace $0x8FFFFFFF  }
0x98: {  	s18 =	sld [smem:$0x3FDB];
	_ =	sdelay $0x1  }
0x99: {  	s19 =	simm.s32 $_scs_section_size  }
0x9a: {  	s4 =	simm.s32 $_size__tile_overlayer_lowered;
	s5 =	simm.s32 $_tile_overlayer_lowered  }
0x9b: {  	s22 =	simm.s32 $0x1BFF;
	s21 =	sshll.u32 s5, $0x1;
	s2 =	sadd.s32 s19, s18  }
0x9c: {  	s6 =	simm.s32 $0x0;
	s20 =	sshll.u32 s4, $0x1;
	s4 =	sadd.s32 s21, s2  }
0x9d: {  	[timem:s6], [sflag:s22] =	dma.local [hbm:s4], s20  }
0x9e: {  	_ =	swait.ge [sflag:s22], s20  }
0x9f: {  	s3 =	ssub.s32 $0x0, s20;
	[sflag:s22] =	ssyncset.done $0x0  }
0xa0: {  	[sflag:s22] =	ssyncadd.s32 s3;
	_ =	sdelay $0x1  }
0xa1: {  	s23 =	simm.s32 $0x1B8B  }
0xa2: {  	_ =	swait.ge [sflag:s23], $0x1  }
0xa3: {  	[sflag:s23] =	ssyncset.done $0x0  }
0xa4: {  	s25 =	simm.s32 $0x1B8E;
	s24 =	sld [smem:$0x3FFE];
	[sflag:s23] =	ssyncadd.s32 $0xFFFFFFFF  }
0xa5: {  	s26 =	simm.s32 $execute0_lowered;
	[smem:$0x3FD2] =	sst s25  }
0xa6: {  	s4 =	sshll.u32 s26, $0x1;
	_ =	strace $0x80000049;
	[dreg:$0x1] =	wrdreg $0xFFFFFFFF  }
0xa7: {  	s28 =	simm.s32 $_size_execute0_lowered;
	s2 =	sadd.s32 s2, s4;
	[dreg:$0x0] =	wrdreg $0x0  }
0xa8: {  	s4 =	sshll.u32 s28, $0x1;
	[dreg:$0x2] =	wrdreg s2  }
0xa9: {  	[dreg:$0x3] =	wrdreg s4  }
0xaa: {  	[dreg:$0x4] =	wrdreg $0xC0  }
0xab: {  	_ =	task [dreg:s6], $0x5FFFF  }
0xac: {  	[dreg:$0x1] =	wrdreg $0xFFFFFFFF  }
0xad: {  	[dreg:$0x0] =	wrdreg $0x60  }
0xae: {  	[dreg:$0x2] =	wrdreg s24  }
0xaf: {  	[dreg:$0x3] =	wrdreg $0x29000  }
0xb0: {  	[dreg:$0x4] =	wrdreg $0x9  }
0xb1: {  	_ =	task.clear_ibuf [dreg:s6], $0x5FFFF;
	_ =	strace $0x90000049  }
0xb2: {  	s29 =	simm.s32 $0x9;
	_ =	strace $0x8000004B  }
0xb3: {  	_ =	swait.ge [sflag:s29], $0x1  }
0xb4: {  	[sflag:s29] =	ssyncadd.s32 $0xFFFFFFFF  }
0xb5: {  	_ =	strace $0x9000004B  }
0xb6: {  	_ =	sfence  }
0xb7: {  	s30 =	sld [smem:$0x0];
	_ =	sdelay $0x2  }
0xb8: {  	s31 =	sshll.u32 s1, $0xD;
	s1 =	sshrl.u32 s1, $0x2  }
0xb9: {  	s3 =	sand.u32 $0x4000, s31;
	s1 =	sadd.s32 s1, s30  }
0xba: {  	s0 =	sor.u32 s3, s0;
	s1 =	sshll.u32 s1, $0x11  }
0xbb: {  	s0 =	sor.u32 s1, s0  }
0xbc: {  	s0 =	sadd.s32 $0x8F2B, s0  }
0xbd: {  	[sflag:s0] =	ssyncadd.remote.s32 $0x1  }
0xbe: {  	_ =	sfence.sel $0xFFFF  }
0xbf: {  	[dreg:$0x0] =	wrdreg $0xFFFFFFFF;
	(pc) =	sbr.abs _section_cstart, $3  }
0xc0: {  	[dreg:$0x1] =	wrdreg $0xFFFFFFFF  }
0xc1: {  	_ =	task.clear_ibuf [dreg:s6], $0x2FFFF;
	_ =	strace $0x9FFFFFFF  }
0xc2: {  	(tm) =	ssettm $0x7FFFFFFF  }
0xc3: {  	_ =	shalt  }
tec
execute0_lowered:
.L_overlay_start_1:
0x0: {  	(tag) =	ssettag $0x1  }
0x1: {  	s6 =	rddreg [dreg:$0x0]  }
0x2: {  	s2 =	rddreg [dreg:$0x1]  }
0x3: {  	s0 =	srdreg.scid;
	s1 =	rddreg [dreg:$0x2]  }
0x4: {  	s3 =	simm.s32 $0x0;
	s13 =	simm.s32 $0x80;
	s7 =	sand.u32 $0x1, s0  }
0x5: {  	s14 =	simm.s32 $0x50;
	s0 =	stileid.u32;
	s4 =	smul.u32 $0x27100, s7  }
0x6: {  	s15 =	simm.s32 $0x100;
	s16 =	simm.s32 $0x1;
	s5 =	smul.u32 $0x2710, s0  }
0x7: {  	s17 =	simm.s32 $0x0;
	[smem:$0x7FF] =	sst s3;
	s8 =	smul.u32 $0x140000, s7  }
0x8: {  	s9 =	smul.u32 $0x14000, s0;
	_ =	strace $0x8000004A;
	s7 =	ssub.s32 $0x2, s7  }
0x9: {  	s29 =	smul.u32 $0x50000, s0;
	s31 =	sshll.u32 s0, $0x6;
	s30 =	sshrl.u32 s7, $0x1  }
0xa: {  	s5 =	sadd.s32 s5, s4;
	s4 =	sadd.s32 $0x16C00, s6;
	s8 =	sadd.s32 s9, s8  }
0xb: {  	s9 =	sshrl.u32 s29, $0x2;
	s11 =	ssub.s32 s7, s30;
	s5 =	sshrl.u32 s5, $0x3  }
0xc: {  	s8 =	sshrl.u32 s8, $0x3;
	s12 =	sadd.s32 s9, s2;
	s10 =	sadd.s32 s5, s6  }
0xd: {  	s5 =	sadd.s32 $0xB3000, s6;
	s8 =	sadd.s32 s8, s6;
	s6 =	sor.u32 $0x1C02, s31  }
0xe: {  	s7 =	sadd.s32 $0xB5800, s8;
	s8 =	smax.u32 s11, $0x1;
	s9 =	sadd.s32 $0x3000, s10  }
0xf: {  	s10 =	sadd.s32 $0xCE00, s10;
	s11 =	sshrl.u32 s12, $0x3;
	s12 =	simm.s32 $0x2  }
.LBB2_1:
0x10: {  	[spmem:s11], [sflag:s6] =	dma.local [hbm:s5], $0x2800  }
0x11: {  	_ =	swait.ge [sflag:s12], $0x2800  }
0x12: {  	[sflag:s12] =	ssyncset.done $0x0  }
0x13: {  	[sflag:s12] =	ssyncadd.s32 $0xFFFFD800  }
0x14: {  	s18 =	sadd.s32 $0x0, s10;
	[bflag:$0x0] =	sbarrier.arrive $0xFFFF  }
0x15: {  	[tilespmem:s3], [sflag:$0x2] =	stream.linear.gather [hbm4b:s18+s3], $0x50, $0x38;
	[tilespmem:$0x16900] =	vst v63  }
0x16: {  	_ =	swait.ge [sflag:s12], $0x50  }
0x17: {  	[sflag:s12] =	ssyncset.done $0x0  }
0x18: {  	s31 =	sadd.s32 $0x0, s9;
	[sflag:s12] =	ssyncadd.s32 $0xFFFFFFB0  }
0x19: {  	[tilespmem:s13], [sflag:$0x2] =	stream.linear.gather [hbm4b:s31+s3], $0x50, $0x38;
	[tilespmem:$0x16900] =	vst v63  }
0x1a: {  	_ =	swait.ge [sflag:s12], $0x50  }
0x1b: {  	[sflag:s12] =	ssyncset.done $0x0  }
0x1c: {  	[sflag:s12] =	ssyncadd.s32 $0xFFFFFFB0  }
0x1d: {  	[tilespmem:s15], [sflag:$0x1] =	stream.indirect.gather [hbm4b:s4+s14], $0x80, s3, s14, $0xb8;
	[tilespmem:$0x16900] =	vst v63  }
0x1e: {  	_ =	swait.ge [sflag:s16], $0x2800  }
0x1f: {  	[sflag:s16] =	ssyncset.done $0x0  }
0x20: {  	[sflag:s16] =	ssyncadd.s32 $0xFFFFD800  }
0x21: {  	[spmem:s2] =	stream.indirect.scatter.add.f32 [tilespmem:s15], [sflag:$0x2], $0x80, s13, s14, $0xb8;
	[tilespmem:$0x16900] =	vst v63  }
0x22: {  	_ =	swait.ge [sflag:s12], $0x2800  }
0x23: {  	s19 =	simm.s32 $0x14;
	s18 =	simm.s32 $0xA;
	[sflag:s12] =	ssyncset.done $0x0  }
.LBB2_2:
0x24: {  	s20 =	sadd.s32 s18, s10  }
0x25: {  	[sflag:s12] =	ssyncadd.s32 $0xFFFFD800;
	s21 =	smov.u32 s19;
	s22 =	sadd.s32 $0xA, s19  }
0x26: {  	[tilespmem:s3], [sflag:$0x2] =	stream.linear.gather [hbm4b:s20+s3], $0x50, $0x38;
	[tilespmem:$0x16900] =	vst v63  }
0x27: {  	p0 =	sne.s32 s19, $0x4D8;
	_ =	swait.ge [sflag:s12], $0x50  }
0x28: {  	[sflag:s12] =	ssyncset.done $0x0  }
0x29: {  	s19 =	sadd.s32 s18, s9;
	s18 =	smov.u32 s21;
	[sflag:s12] =	ssyncadd.s32 $0xFFFFFFB0  }
0x2a: {  	[tilespmem:s13], [sflag:$0x2] =	stream.linear.gather [hbm4b:s19+s3], $0x50, $0x38;
	[tilespmem:$0x16900] =	vst v63  }
0x2b: {  	_ =	swait.ge [sflag:s12], $0x50  }
0x2c: {  	[sflag:s12] =	ssyncset.done $0x0  }
0x2d: {  	[sflag:s12] =	ssyncadd.s32 $0xFFFFFFB0  }
0x2e: {  	[tilespmem:s15], [sflag:$0x1] =	stream.indirect.gather [hbm4b:s4+s14], $0x80, s3, s14, $0xb8;
	[tilespmem:$0x16900] =	vst v63  }
0x2f: {  	_ =	swait.ge [sflag:s16], $0x2800  }
.Ltmp0:
0x30: {  	[sflag:s16] =	ssyncset.done $0x0;
	(pc) =	sbr.rel @p0 .LBB2_2-.Ltmp0, $4  }
0x31: {  	[sflag:s16] =	ssyncadd.s32 $0xFFFFD800  }
0x32: {  	[spmem:s2] =	stream.indirect.scatter.add.f32 [tilespmem:s15], [sflag:$0x2], $0x80, s13, s14, $0xb8;
	[tilespmem:$0x16900] =	vst v63  }
0x33: {  	_ =	swait.ge [sflag:s12], $0x2800  }
0x34: {  	s19 =	smov.u32 s22;
	[sflag:s12] =	ssyncset.done $0x0  }
0x35: {  	s19 =	sadd.s32 s18, s10;
	[sflag:s12] =	ssyncadd.s32 $0xFFFFD800  }
0x36: {  	[tilespmem:s3], [sflag:$0x2] =	stream.linear.gather [hbm4b:s19+s3], $0x50, $0x38;
	[tilespmem:$0x16900] =	vst v63  }
0x37: {  	_ =	swait.ge [sflag:s12], $0x50  }
0x38: {  	[sflag:s12] =	ssyncset.done $0x0  }
0x39: {  	s31 =	sadd.s32 s18, s9;
	[sflag:s12] =	ssyncadd.s32 $0xFFFFFFB0  }
0x3a: {  	[tilespmem:s13], [sflag:$0x2] =	stream.linear.gather [hbm4b:s31+s3], $0x50, $0x38;
	[tilespmem:$0x16900] =	vst v63  }
0x3b: {  	_ =	swait.ge [sflag:s12], $0x50  }
0x3c: {  	[sflag:s12] =	ssyncset.done $0x0  }
0x3d: {  	[sflag:s12] =	ssyncadd.s32 $0xFFFFFFB0  }
0x3e: {  	[tilespmem:s15], [sflag:$0x1] =	stream.indirect.gather [hbm4b:s4+s14], $0x80, s3, s14, $0xb8;
	[tilespmem:$0x16900] =	vst v63  }
0x3f: {  	_ =	swait.ge [sflag:s16], $0x2800  }
0x40: {  	[sflag:s16] =	ssyncset.done $0x0  }
0x41: {  	[sflag:s16] =	ssyncadd.s32 $0xFFFFD800  }
0x42: {  	[spmem:s2] =	stream.indirect.scatter.add.f32 [tilespmem:s15], [sflag:$0x2], $0x80, s13, s14, $0xb8;
	[tilespmem:$0x16900] =	vst v63  }
0x43: {  	_ =	swait.ge [sflag:s12], $0x2800  }
0x44: {  	s17 =	sadd.s32 $0x1, s17;
	[sflag:s12] =	ssyncset.done $0x0  }
0x45: {  	p0 =	sne.s32 s17, s8;
	[sflag:s12] =	ssyncadd.s32 $0xFFFFD800  }
.Ltmp1:
0x46: {  	[bflag:$0x0] =	sbarrier.arrive $0xFFFF;
	(pc) =	sbr.rel @p0 .LBB2_1-.Ltmp1, $4  }
0x47: {  	[hbm:s7], [sflag:s6] =	dma.local [spmem:s11], $0x2800  }
0x48: {  	_ =	swait.ge [sflag:s12], $0x2800  }
0x49: {  	[sflag:s12] =	ssyncset.done $0x0  }
0x4a: {  	[sflag:s12] =	ssyncadd.s32 $0xFFFFD800  }
0x4b: {  	_ =	sfence.sel $0x180000  }
0x4c: {  	[bflag:$0x0] =	sbarrier.arrive $0xFFFF  }
0x4d: {  	p0 =	sne.s32 s0, $0x0;
	_ =	strace $0x9000004A  }
0x4e: {  	s0 =	sadd.s32 @!p0 $0x100000, s1;
	[bflag:$0x2] =	sbarrier.arrive $0xFFFF  }
0x4f: {  	[sflag:s0] =	ssyncadd.tile.s32 @!p0 $0x1;
	_ =	shalt  }
.Lfunc_end2:
_tile_overlayer_lowered:
.L_overlay_start_2:
0x50: {  	(tag) =	ssettag $0x2  }
0x51: {  	s0 =	rddreg [dreg:$0x0];
	s2 =	stileid.u32  }
0x52: {  	s1 =	rddreg [dreg:$0x1];
	p0 =	sne.s32 s2, $0x0  }
0x53: {  	s3 =	rddreg [dreg:$0x2];
	[bflag:$0x3] =	sbarrier.arrive $0xFFFF;
	s2 =	simm.s32 @!p0 $0x1C02  }
0x54: {  	[timem:s3], [sflag:s2] =	dma.local @!p0 [hbm:s0], s1  }
0x55: {  	s0 =	simm.s32 @!p0 $0x2  }
0x56: {  	_ =	swait.ge @!p0 [sflag:s0], s1  }
0x57: {  	s1 =	ssub.s32 @!p0 $0x0, s1;
	[sflag:s0] =	ssyncset.done @!p0 $0x0  }
0x58: {  	[sflag:s0] =	ssyncadd.s32 @!p0 s1  }
0x59: {  	[bflag:$0x3] =	sbarrier.arrive $0xFFFF  }
0x5a: {  	_ =	shalt  }

// kernel: kernel.16.cloned.1.call-start
scs
__scs_entry_jumppad:
0x0: {  	(pc) =	sbr.rel $0x88, $3  }
0x1: {  	(tag) =	ssettag $0x0;
	lr =	simm.s32 $0x1  }
0x2: {  	[smem:$0x3F90] =	sst lr;
	_ =	strace $0xD0000000  }
0x3: {  	_ = 	snop  }
0x4: {  	_ = 	snop  }
0x5: {  	_ = 	snop  }
0x6: {  	_ = 	snop  }
0x7: {  	_ = 	snop  }
__scs_overlays_trampoline_lowered:
0x8: {  	[smem:$0x3F9F] =	sst s0  }
0x9: {  	[smem:$0x3FA0] =	sst s1  }
0xa: {  	[smem:$0x3FA1] =	sst s2  }
0xb: {  	[smem:$0x3FA2] =	sst s3  }
0xc: {  	[smem:$0x3FA3] =	sst s4  }
0xd: {  	[smem:$0x3FA4] =	sst s5  }
0xe: {  	[smem:$0x3FA5] =	sst s6  }
0xf: {  	[smem:$0x3FA6] =	sst s7  }
0x10: {  	[smem:$0x3FA7] =	sst s8  }
0x11: {  	[smem:$0x3FA8] =	sst s9;
	s0 =	simm.s32 @!p0 $0x0  }
0x12: {  	s1 =	sld [smem:$0x3F8E];
	s0 =	simm.s32 @p0 $0x1  }
0x13: {  	[smem:$0x3FA9] =	sst s0;
	s0 =	simm.s32 @!p1 $0x0  }
0x14: {  	s2 =	sld [smem:$0x3F8D];
	s0 =	simm.s32 @p1 $0x1  }
0x15: {  	[smem:$0x3FAA] =	sst s0;
	s0 =	simm.s32 @!p2 $0x0  }
0x16: {  	s3 =	sld [smem:$0x3FDB];
	s0 =	simm.s32 @p2 $0x1  }
0x17: {  	s4 =	simm.s32 $0x1BF5;
	[smem:$0x3FAC] =	sst s0  }
0x18: {  	s0 =	sld [smem:$0x3F8F];
	_ =	swait.ge [sflag:s4], $0x0  }
0x19: {  	s7 =	sld [smem:$0x3F90]  }
0x1a: {  	s8 =	sadd.s32 $0xFFFFE003, lr  }
0x1b: {  	s9 =	sadd.s32 $0xFFFFFEF7, lr;
	s5 =	simm.s32 $0xFFFFFFFF;
	p2 =	slt.u32 s8, $0xFFFFF086  }
0x1c: {  	p1 =	slt.u32 s9, $0xF7A;
	s5 =	simm.s32 @!p2 $0x0  }
0x1d: {  	s5 =	simm.s32 @p1 $0x1;
	p0 =	seq.s32 s7, s2  }
0x1e: {  	s7 =	smul.u32 @!p0 $0xF7A, s2;
	p2 =	seq.s32 @!p0 s5, $0x0  }
0x1f: {  	s9 =	smul.u32 $0xF7A, s1;
	s8 =	simm.s32 @!p0 $0x1BF5;
	p2 =	por !p2, p0  }
0x20: {  	[sflag:s8] =	ssyncset.s32 @!p0 $0xFFFFF086;
	s6 =	sadd.s32 @!p0 s3, s7;
	s7 =	simm.s32 @!p0 $0x108  }
0x21: {  	s3 =	sadd.s32 s3, s9;
	s6 =	sadd.s32 @!p0 $0x88, s6;
	s7 =	simm.s32 @p2 $0x1082  }
0x22: {  	[simem:s7], [sflag:s8] =	dma.local @!p0 [hbm:s6], $0xF7A  }
0x23: {  	s9 =	sor.u32 $0xD0000000, s2;
	s6 =	simm.s32 $0x108;
	_ =	swait.ge @!p0 [sflag:s8], $0x0  }
0x24: {  	s3 =	sadd.s32 $0x88, s3;
	s6 =	simm.s32 @!p1 $0x1082;
	[sflag:s4] =	ssyncset.s32 $0xFFFFF086  }
0x25: {  	[simem:s6], [sflag:s4] =	dma.local [hbm:s3], $0xF7A  }
0x26: {  	[smem:$0x3F90] =	sst s1;
	(tag) =	ssettag s2;
	_ =	strace s9  }
0x27: {  	s1 =	sld [smem:$0x3FA0]  }
0x28: {  	s2 =	sld [smem:$0x3FA1]  }
0x29: {  	s4 =	sld [smem:$0x3FA3]  }
0x2a: {  	p0 =	seq.s32 s5, $0x0;
	s5 =	sld [smem:$0x3FA4]  }
0x2b: {  	s6 =	sld [smem:$0x3FA5]  }
0x2c: {  	s7 =	sld [smem:$0x3FA6]  }
0x2d: {  	s3 =	simm.s32 $0x108;
	s8 =	sld [smem:$0x3FA7]  }
0x2e: {  	s3 =	simm.s32 @!p0 $0x1082;
	s9 =	sld [smem:$0x3FA8]  }
0x2f: {  	lr =	sadd.s32 s0, s3;
	s0 =	sld [smem:$0x3F9F]  }
0x30: {  	s3 =	sld [smem:$0x3FA2]  }
0x31: {  	[smem:$0x3FAB] =	sst s10  }
0x32: {  	s10 =	sld [smem:$0x3FA9];
	_ =	sdelay $0x3  }
0x33: {  	p0 =	seq.s32 s10, $0x1;
	s10 =	sld [smem:$0x3FAB];
	_ =	sdelay $0x3  }
0x34: {  	[smem:$0x3FAB] =	sst s10  }
0x35: {  	s10 =	sld [smem:$0x3FAA];
	_ =	sdelay $0x3  }
0x36: {  	p1 =	seq.s32 s10, $0x1;
	s10 =	sld [smem:$0x3FAB];
	_ =	sdelay $0x3  }
0x37: {  	[smem:$0x3FAB] =	sst s10  }
0x38: {  	s10 =	sld [smem:$0x3FAC]  }
0x39: {  	_ = 	snop;
	(pc) =	sbr.ind lr, $3  }
0x3a: {  	_ = 	snop  }
0x3b: {  	_ = 	snop  }
0x3c: {  	p2 =	seq.s32 s10, $0x1;
	s10 =	sld [smem:$0x3FAB]  }
0x3d: {  	_ =	shalt  }
0x3e: {  	_ =	shalt  }
0x3f: {  	_ =	shalt  }
0x40: {  	_ =	shalt  }
0x41: {  	_ =	shalt  }
0x42: {  	_ =	shalt  }
0x43: {  	_ =	shalt  }
0x44: {  	_ =	shalt  }
0x45: {  	_ =	shalt  }
0x46: {  	_ =	shalt  }
0x47: {  	_ =	shalt  }
0x48: {  	_ =	shalt  }
0x49: {  	_ =	shalt  }
0x4a: {  	_ =	shalt  }
0x4b: {  	_ =	shalt  }
0x4c: {  	_ =	shalt  }
0x4d: {  	_ =	shalt  }
0x4e: {  	_ =	shalt  }
0x4f: {  	_ =	shalt  }
0x50: {  	_ =	shalt  }
0x51: {  	_ =	shalt  }
0x52: {  	_ =	shalt  }
0x53: {  	_ =	shalt  }
0x54: {  	_ =	shalt  }
0x55: {  	_ =	shalt  }
0x56: {  	_ =	shalt  }
0x57: {  	_ =	shalt  }
0x58: {  	_ =	shalt  }
0x59: {  	_ =	shalt  }
0x5a: {  	_ =	shalt  }
0x5b: {  	_ =	shalt  }
0x5c: {  	_ =	shalt  }
0x5d: {  	_ =	shalt  }
0x5e: {  	_ =	shalt  }
0x5f: {  	_ =	shalt  }
0x60: {  	_ =	shalt  }
0x61: {  	_ =	shalt  }
0x62: {  	_ =	shalt  }
0x63: {  	_ =	shalt  }
0x64: {  	_ =	shalt  }
0x65: {  	_ =	shalt  }
0x66: {  	_ =	shalt  }
0x67: {  	_ =	shalt  }
0x68: {  	_ =	shalt  }
0x69: {  	_ =	shalt  }
0x6a: {  	_ =	shalt  }
0x6b: {  	_ =	shalt  }
0x6c: {  	_ =	shalt  }
0x6d: {  	_ =	shalt  }
0x6e: {  	_ =	shalt  }
0x6f: {  	_ =	shalt  }
0x70: {  	_ =	shalt  }
0x71: {  	_ =	shalt  }
0x72: {  	_ =	shalt  }
0x73: {  	_ =	shalt  }
0x74: {  	_ =	shalt  }
0x75: {  	_ =	shalt  }
0x76: {  	_ =	shalt  }
0x77: {  	_ =	shalt  }
0x78: {  	_ =	shalt  }
0x79: {  	_ =	shalt  }
0x7a: {  	_ =	shalt  }
0x7b: {  	_ =	shalt  }
0x7c: {  	_ =	shalt  }
0x7d: {  	_ =	shalt  }
0x7e: {  	_ =	shalt  }
0x7f: {  	_ =	shalt  }
0x80: {  	_ =	shalt  }
0x81: {  	_ =	shalt  }
0x82: {  	_ =	shalt  }
0x83: {  	_ =	shalt  }
0x84: {  	_ =	shalt  }
0x85: {  	_ =	shalt  }
0x86: {  	_ =	shalt  }
0x87: {  	_ =	shalt  }
.Lfunc_end0:
.L_simem_size_0:
called_computation.2_lowered:
.L_overlay_start_0:
0x88: {  	s2 =	sld [smem:$0x3FD9]  }
0x89: {  	s3 =	sld [smem:$0x3FFE];
	_ =	sdelay $0x1  }
0x8a: {  	s1 =	srdreg.scid  }
0x8b: {  	s0 =	sand.u32 $0x1, s1  }
0x8c: {  	s16 =	sshll.u32 s0, $0xA;
	s2 =	sadd.s32 s3, s2  }
0x8d: {  	s2 =	sadd.s32 s2, s16  }
0x8e: {  	[smem:$0x3FB7] =	sst s2  }
0x8f: {  	_ = 	snop  }
0x90: {  	(tm) =	ssettm $0x1  }
0x91: {  	s17 =	sld [smem:$0x3FFB];
	_ =	sdelay $0x3  }
0x92: {  	_ =	strace s17  }
0x93: {  	s2 =	sld [smem:$0x3FFC];
	_ =	sdelay $0x3  }
0x94: {  	_ =	strace s2  }
0x95: {  	s2 =	sld [smem:$0x3FFD];
	_ =	sdelay $0x3  }
0x96: {  	_ =	strace s2  }
0x97: {  	_ =	strace $0x8FFFFFFF  }
0x98: {  	s18 =	sld [smem:$0x3FDB];
	_ =	sdelay $0x1  }
0x99: {  	s19 =	simm.s32 $_scs_section_size  }
0x9a: {  	s4 =	simm.s32 $_size__tile_overlayer_lowered;
	s5 =	simm.s32 $_tile_overlayer_lowered  }
0x9b: {  	s22 =	simm.s32 $0x1BFF;
	s21 =	sshll.u32 s5, $0x1;
	s2 =	sadd.s32 s19, s18  }
0x9c: {  	s6 =	simm.s32 $0x0;
	s20 =	sshll.u32 s4, $0x1;
	s4 =	sadd.s32 s21, s2  }
0x9d: {  	[timem:s6], [sflag:s22] =	dma.local [hbm:s4], s20  }
0x9e: {  	_ =	swait.ge [sflag:s22], s20  }
0x9f: {  	s3 =	ssub.s32 $0x0, s20;
	[sflag:s22] =	ssyncset.done $0x0  }
0xa0: {  	[sflag:s22] =	ssyncadd.s32 s3;
	_ =	sdelay $0x1  }
0xa1: {  	s23 =	simm.s32 $0x1B8B  }
0xa2: {  	_ =	swait.ge [sflag:s23], $0x1  }
0xa3: {  	[sflag:s23] =	ssyncset.done $0x0  }
0xa4: {  	s25 =	simm.s32 $0x1B8E;
	s24 =	sld [smem:$0x3FFE];
	[sflag:s23] =	ssyncadd.s32 $0xFFFFFFFF  }
0xa5: {  	s26 =	simm.s32 $execute0_lowered;
	[smem:$0x3FD2] =	sst s25  }
0xa6: {  	s4 =	sshll.u32 s26, $0x1;
	_ =	strace $0x8000004C;
	[dreg:$0x1] =	wrdreg $0xFFFFFFFF  }
0xa7: {  	s28 =	simm.s32 $_size_execute0_lowered;
	s2 =	sadd.s32 s2, s4;
	[dreg:$0x0] =	wrdreg $0x0  }
0xa8: {  	s4 =	sshll.u32 s28, $0x1;
	[dreg:$0x2] =	wrdreg s2  }
0xa9: {  	[dreg:$0x3] =	wrdreg s4  }
0xaa: {  	[dreg:$0x4] =	wrdreg $0xC0  }
0xab: {  	_ =	task [dreg:s6], $0x5FFFF  }
0xac: {  	[dreg:$0x1] =	wrdreg $0xFFFFFFFF  }
0xad: {  	[dreg:$0x0] =	wrdreg $0x60  }
0xae: {  	[dreg:$0x2] =	wrdreg s24  }
0xaf: {  	[dreg:$0x3] =	wrdreg $0x29000  }
0xb0: {  	[dreg:$0x4] =	wrdreg $0x9  }
0xb1: {  	_ =	task.clear_ibuf [dreg:s6], $0x5FFFF;
	_ =	strace $0x9000004C  }
0xb2: {  	s29 =	simm.s32 $0x9;
	_ =	strace $0x8000004E  }
0xb3: {  	_ =	swait.ge [sflag:s29], $0x1  }
0xb4: {  	[sflag:s29] =	ssyncadd.s32 $0xFFFFFFFF  }
0xb5: {  	_ =	strace $0x9000004E  }
0xb6: {  	_ =	sfence  }
0xb7: {  	s30 =	sld [smem:$0x0];
	_ =	sdelay $0x2  }
0xb8: {  	s31 =	sshll.u32 s1, $0xD;
	s1 =	sshrl.u32 s1, $0x2  }
0xb9: {  	s3 =	sand.u32 $0x4000, s31;
	s1 =	sadd.s32 s1, s30  }
0xba: {  	s0 =	sor.u32 s3, s0;
	s1 =	sshll.u32 s1, $0x11  }
0xbb: {  	s0 =	sor.u32 s1, s0  }
0xbc: {  	s0 =	sadd.s32 $0x8F2B, s0  }
0xbd: {  	[sflag:s0] =	ssyncadd.remote.s32 $0x1  }
0xbe: {  	_ =	sfence.sel $0xFFFF  }
0xbf: {  	[dreg:$0x0] =	wrdreg $0xFFFFFFFF;
	(pc) =	sbr.abs _section_cstart, $3  }
0xc0: {  	[dreg:$0x1] =	wrdreg $0xFFFFFFFF  }
0xc1: {  	_ =	task.clear_ibuf [dreg:s6], $0x2FFFF;
	_ =	strace $0x9FFFFFFF  }
0xc2: {  	(tm) =	ssettm $0x7FFFFFFF  }
0xc3: {  	_ =	shalt  }
tec
execute0_lowered:
.L_overlay_start_1:
0x0: {  	(tag) =	ssettag $0x1  }
0x1: {  	s6 =	rddreg [dreg:$0x0]  }
0x2: {  	s2 =	rddreg [dreg:$0x1]  }
0x3: {  	s0 =	srdreg.scid;
	s1 =	rddreg [dreg:$0x2]  }
0x4: {  	s3 =	simm.s32 $0x0;
	s13 =	simm.s32 $0x80;
	s7 =	sand.u32 $0x1, s0  }
0x5: {  	s14 =	simm.s32 $0x50;
	s0 =	stileid.u32;
	s4 =	smul.u32 $0x27100, s7  }
0x6: {  	s15 =	simm.s32 $0x100;
	s16 =	simm.s32 $0x1;
	s5 =	smul.u32 $0x2710, s0  }
0x7: {  	s17 =	simm.s32 $0x0;
	[smem:$0x7FF] =	sst s3;
	s8 =	smul.u32 $0x140000, s7  }
0x8: {  	s9 =	smul.u32 $0x14000, s0;
	_ =	strace $0x8000004D;
	s7 =	ssub.s32 $0x2, s7  }
0x9: {  	s29 =	smul.u32 $0x50000, s0;
	s31 =	sshll.u32 s0, $0x6;
	s30 =	sshrl.u32 s7, $0x1  }
0xa: {  	s5 =	sadd.s32 s5, s4;
	s4 =	sadd.s32 $0x16C00, s6;
	s8 =	sadd.s32 s9, s8  }
0xb: {  	s9 =	sshrl.u32 s29, $0x2;
	s11 =	ssub.s32 s7, s30;
	s5 =	sshrl.u32 s5, $0x3  }
0xc: {  	s8 =	sshrl.u32 s8, $0x3;
	s12 =	sadd.s32 s9, s2;
	s10 =	sadd.s32 s5, s6  }
0xd: {  	s5 =	sadd.s32 $0xB3000, s6;
	s8 =	sadd.s32 s8, s6;
	s6 =	sor.u32 $0x1C02, s31  }
0xe: {  	s7 =	sadd.s32 $0xB5800, s8;
	s8 =	smax.u32 s11, $0x1;
	s9 =	sadd.s32 $0x3000, s10  }
0xf: {  	s10 =	sadd.s32 $0xCE00, s10;
	s11 =	sshrl.u32 s12, $0x3;
	s12 =	simm.s32 $0x2  }
.LBB2_1:
0x10: {  	[spmem:s11], [sflag:s6] =	dma.local [hbm:s5], $0x2800  }
0x11: {  	_ =	swait.ge [sflag:s12], $0x2800  }
0x12: {  	[sflag:s12] =	ssyncset.done $0x0  }
0x13: {  	[sflag:s12] =	ssyncadd.s32 $0xFFFFD800  }
0x14: {  	s18 =	sadd.s32 $0x0, s10;
	[bflag:$0x0] =	sbarrier.arrive $0xFFFF  }
0x15: {  	[tilespmem:s3], [sflag:$0x2] =	stream.linear.gather [hbm4b:s18+s3], $0x50, $0x38;
	[tilespmem:$0x16900] =	vst v63  }
0x16: {  	_ =	swait.ge [sflag:s12], $0x50  }
0x17: {  	[sflag:s12] =	ssyncset.done $0x0  }
0x18: {  	s31 =	sadd.s32 $0x0, s9;
	[sflag:s12] =	ssyncadd.s32 $0xFFFFFFB0  }
0x19: {  	[tilespmem:s13], [sflag:$0x2] =	stream.linear.gather [hbm4b:s31+s3], $0x50, $0x38;
	[tilespmem:$0x16900] =	vst v63  }
0x1a: {  	_ =	swait.ge [sflag:s12], $0x50  }
0x1b: {  	[sflag:s12] =	ssyncset.done $0x0  }
0x1c: {  	[sflag:s12] =	ssyncadd.s32 $0xFFFFFFB0  }
0x1d: {  	[tilespmem:s15], [sflag:$0x1] =	stream.indirect.gather [hbm4b:s4+s14], $0x80, s3, s14, $0xb8;
	[tilespmem:$0x16900] =	vst v63  }
0x1e: {  	_ =	swait.ge [sflag:s16], $0x2800  }
0x1f: {  	[sflag:s16] =	ssyncset.done $0x0  }
0x20: {  	[sflag:s16] =	ssyncadd.s32 $0xFFFFD800  }
0x21: {  	[spmem:s2] =	stream.indirect.scatter.add.f32 [tilespmem:s15], [sflag:$0x2], $0x80, s13, s14, $0xb8;
	[tilespmem:$0x16900] =	vst v63  }
0x22: {  	_ =	swait.ge [sflag:s12], $0x2800  }
0x23: {  	s19 =	simm.s32 $0x14;
	s18 =	simm.s32 $0xA;
	[sflag:s12] =	ssyncset.done $0x0  }
.LBB2_2:
0x24: {  	s20 =	sadd.s32 s18, s10  }
0x25: {  	[sflag:s12] =	ssyncadd.s32 $0xFFFFD800;
	s21 =	smov.u32 s19;
	s22 =	sadd.s32 $0xA, s19  }
0x26: {  	[tilespmem:s3], [sflag:$0x2] =	stream.linear.gather [hbm4b:s20+s3], $0x50, $0x38;
	[tilespmem:$0x16900] =	vst v63  }
0x27: {  	p0 =	sne.s32 s19, $0x4D8;
	_ =	swait.ge [sflag:s12], $0x50  }
0x28: {  	[sflag:s12] =	ssyncset.done $0x0  }
0x29: {  	s19 =	sadd.s32 s18, s9;
	s18 =	smov.u32 s21;
	[sflag:s12] =	ssyncadd.s32 $0xFFFFFFB0  }
0x2a: {  	[tilespmem:s13], [sflag:$0x2] =	stream.linear.gather [hbm4b:s19+s3], $0x50, $0x38;
	[tilespmem:$0x16900] =	vst v63  }
0x2b: {  	_ =	swait.ge [sflag:s12], $0x50  }
0x2c: {  	[sflag:s12] =	ssyncset.done $0x0  }
0x2d: {  	[sflag:s12] =	ssyncadd.s32 $0xFFFFFFB0  }
0x2e: {  	[tilespmem:s15], [sflag:$0x1] =	stream.indirect.gather [hbm4b:s4+s14], $0x80, s3, s14, $0xb8;
	[tilespmem:$0x16900] =	vst v63  }
0x2f: {  	_ =	swait.ge [sflag:s16], $0x2800  }
.Ltmp0:
0x30: {  	[sflag:s16] =	ssyncset.done $0x0;
	(pc) =	sbr.rel @p0 .LBB2_2-.Ltmp0, $4  }
0x31: {  	[sflag:s16] =	ssyncadd.s32 $0xFFFFD800  }
0x32: {  	[spmem:s2] =	stream.indirect.scatter.add.f32 [tilespmem:s15], [sflag:$0x2], $0x80, s13, s14, $0xb8;
	[tilespmem:$0x16900] =	vst v63  }
0x33: {  	_ =	swait.ge [sflag:s12], $0x2800  }
0x34: {  	s19 =	smov.u32 s22;
	[sflag:s12] =	ssyncset.done $0x0  }
0x35: {  	s19 =	sadd.s32 s18, s10;
	[sflag:s12] =	ssyncadd.s32 $0xFFFFD800  }
0x36: {  	[tilespmem:s3], [sflag:$0x2] =	stream.linear.gather [hbm4b:s19+s3], $0x50, $0x38;
	[tilespmem:$0x16900] =	vst v63  }
0x37: {  	_ =	swait.ge [sflag:s12], $0x50  }
0x38: {  	[sflag:s12] =	ssyncset.done $0x0  }
0x39: {  	s31 =	sadd.s32 s18, s9;
	[sflag:s12] =	ssyncadd.s32 $0xFFFFFFB0  }
0x3a: {  	[tilespmem:s13], [sflag:$0x2] =	stream.linear.gather [hbm4b:s31+s3], $0x50, $0x38;
	[tilespmem:$0x16900] =	vst v63  }
0x3b: {  	_ =	swait.ge [sflag:s12], $0x50  }
0x3c: {  	[sflag:s12] =	ssyncset.done $0x0  }
0x3d: {  	[sflag:s12] =	ssyncadd.s32 $0xFFFFFFB0  }
0x3e: {  	[tilespmem:s15], [sflag:$0x1] =	stream.indirect.gather [hbm4b:s4+s14], $0x80, s3, s14, $0xb8;
	[tilespmem:$0x16900] =	vst v63  }
0x3f: {  	_ =	swait.ge [sflag:s16], $0x2800  }
0x40: {  	[sflag:s16] =	ssyncset.done $0x0  }
0x41: {  	[sflag:s16] =	ssyncadd.s32 $0xFFFFD800  }
0x42: {  	[spmem:s2] =	stream.indirect.scatter.add.f32 [tilespmem:s15], [sflag:$0x2], $0x80, s13, s14, $0xb8;
	[tilespmem:$0x16900] =	vst v63  }
0x43: {  	_ =	swait.ge [sflag:s12], $0x2800  }
0x44: {  	s17 =	sadd.s32 $0x1, s17;
	[sflag:s12] =	ssyncset.done $0x0  }
0x45: {  	p0 =	sne.s32 s17, s8;
	[sflag:s12] =	ssyncadd.s32 $0xFFFFD800  }
.Ltmp1:
0x46: {  	[bflag:$0x0] =	sbarrier.arrive $0xFFFF;
	(pc) =	sbr.rel @p0 .LBB2_1-.Ltmp1, $4  }
0x47: {  	[hbm:s7], [sflag:s6] =	dma.local [spmem:s11], $0x2800  }
0x48: {  	_ =	swait.ge [sflag:s12], $0x2800  }
0x49: {  	[sflag:s12] =	ssyncset.done $0x0  }
0x4a: {  	[sflag:s12] =	ssyncadd.s32 $0xFFFFD800  }
0x4b: {  	_ =	sfence.sel $0x180000  }
0x4c: {  	[bflag:$0x0] =	sbarrier.arrive $0xFFFF  }
0x4d: {  	p0 =	sne.s32 s0, $0x0;
	_ =	strace $0x9000004D  }
0x4e: {  	s0 =	sadd.s32 @!p0 $0x100000, s1;
	[bflag:$0x2] =	sbarrier.arrive $0xFFFF  }
0x4f: {  	[sflag:s0] =	ssyncadd.tile.s32 @!p0 $0x1;
	_ =	shalt  }
.Lfunc_end2:
_tile_overlayer_lowered:
.L_overlay_start_2:
0x50: {  	(tag) =	ssettag $0x2  }
0x51: {  	s0 =	rddreg [dreg:$0x0];
	s2 =	stileid.u32  }
0x52: {  	s1 =	rddreg [dreg:$0x1];
	p0 =	sne.s32 s2, $0x0  }
0x53: {  	s3 =	rddreg [dreg:$0x2];
	[bflag:$0x3] =	sbarrier.arrive $0xFFFF;
	s2 =	simm.s32 @!p0 $0x1C02  }
0x54: {  	[timem:s3], [sflag:s2] =	dma.local @!p0 [hbm:s0], s1  }
0x55: {  	s0 =	simm.s32 @!p0 $0x2  }
0x56: {  	_ =	swait.ge @!p0 [sflag:s0], s1  }
0x57: {  	s1 =	ssub.s32 @!p0 $0x0, s1;
	[sflag:s0] =	ssyncset.done @!p0 $0x0  }
0x58: {  	[sflag:s0] =	ssyncadd.s32 @!p0 s1  }
0x59: {  	[bflag:$0x3] =	sbarrier.arrive $0xFFFF  }
0x5a: {  	_ =	shalt  }

</sc_bundles>
